<compile_context>
chip_gen: v7x
topology: tpu7x:2x2x1
jax: 0.10.2.dev20260603
libtpu: 0.0.44.dev20260713+nightly
codegen_flags: <defaults>
</compile_context>

<pallas_src>
import functools

import jax
import jax.numpy as jnp
from jax import lax
from jax.experimental import pallas as pl
from jax.experimental.pallas import tpu as pltpu
from jax.experimental.pallas import tpu_sc as plsc

_NC = 2
_NS = 16
_NW = _NC * _NS
_NB = 4


def _emb(table, words):
    V, D = table.shape
    B, L = words.shape
    RPT = B // _NW
    C0 = min(L, 128)
    C1 = L - C0
    n_grp = RPT // _NB

    mesh = plsc.VectorSubcoreMesh(core_axis_name="c", subcore_axis_name="s")

    @functools.partial(
        pl.kernel,
        mesh=mesh,
        out_type=jax.ShapeDtypeStruct((B, L, D), jnp.float32),
        scratch_types=[
            pltpu.VMEM((RPT, L), jnp.int32),
            pltpu.VMEM((_NB, L, D), jnp.float32),
            pltpu.SemaphoreType.DMA,
            pltpu.SemaphoreType.DMA,
        ],
        compiler_params=pltpu.CompilerParams(use_tc_tiling_on_sc=False),
    )
    def emb_gather(table_hbm, words_hbm, out_hbm, idx_v, bufs, gsem, osem):
        cid = lax.axis_index("c")
        sid = lax.axis_index("s")
        wid = sid * _NC + cid
        w0 = wid * RPT
        pltpu.sync_copy(words_hbm.at[pl.ds(w0, RPT)], idx_v)

        def fire(r, slot):
            pltpu.async_copy(
                table_hbm.at[idx_v.at[r, pl.ds(0, C0)]],
                bufs.at[slot, pl.ds(0, C0)], gsem)
            if C1:
                pltpu.async_copy(
                    table_hbm.at[idx_v.at[r, pl.ds(C0, C1)]],
                    bufs.at[slot, pl.ds(C0, C1)], gsem)

        def wait_gather(slot):
            pltpu.make_async_copy(
                table_hbm.at[idx_v.at[0]], bufs.at[slot], gsem).wait()

        def wait_store():
            pltpu.make_async_copy(bufs.at[0], out_hbm.at[w0], osem).wait()

        fire(0, 0)

        def body(g, carry):
            for j in range(_NB):
                r = g * _NB + j
                if j == _NB - 1:
                    wait_store()
                else:
                    @pl.when(g > 0)
                    def _():
                        wait_store()
                if j == _NB - 1:
                    @pl.when(g < n_grp - 1)
                    def _():
                        fire(r + 1, 0)
                else:
                    fire(r + 1, j + 1)
                wait_gather(j)
                pltpu.async_copy(bufs.at[j], out_hbm.at[w0 + r], osem)
            return carry

        lax.fori_loop(0, n_grp, body, 0)
        wait_store()
        wait_store()
        wait_store()

    return emb_gather(table, words)


def kernel(table, words):
    B, L = words.shape
    D = table.shape[1]
    SPLIT = 128
    out_a = _emb(table, words[:, :SPLIT])
    out_b = _emb(table, words[:, SPLIT:])
    out = jnp.zeros((B, L, D), jnp.float32)
    out = jax.lax.dynamic_update_slice(out, out_a, (0, 0, 0))
    return jax.lax.dynamic_update_slice(out, out_b, (0, SPLIT, 0))

# --- scband reference (transcript-rebuilt; emitter-appended) ---
"""Pipeline reference for scband-static-embedding-58454504898922 (READ-ONLY COPY).

The authoritative reference and input builder live on the scoring server;
editing this copy changes nothing except your own understanding.
"""

import jax, jax.numpy as jnp
import numpy as np

VOCAB = 1000000
DIM = 64
B = 4096
L = 200


def setup_inputs(seed: int = 0) -> dict:
    key = jax.random.key(seed)
    k1, k2 = jax.random.split(key)
    # Pretrained embedding table loaded from embedding_path in the original module.
    table = jax.random.normal(k1, (VOCAB, DIM), dtype=jnp.float32) * 0.02
    # Token ids for each word in the batch (word->id mapping done by the processor).
    words = jax.random.randint(k2, (B, L), 0, VOCAB, dtype=jnp.int32)
    return {"table": table, "words": words}


def reference(table, words):
    # StaticEmbedding.__call__: for every word in every sequence, query the
    # pretrained vector table and write it into a [bsz, seq_len, dim] buffer.
    # All sequences are padded to the same seq_len here (dense batch), so the
    # loop-of-queries is exactly a row-gather from the table.
    embed = jnp.take(table, words, axis=0)  # [B, L, DIM]
    return embed

if __name__ == "__main__":
    import jax
    _d = setup_inputs()
    print(jax.jit(kernel)(*tuple(_d.values())))

</pallas_src>

<mosaic_0001>
#map = affine_map<(d0, d1) -> (0, 0)>
#map1 = affine_map<(d0, d1) -> (0, 0, 0)>
module attributes {stable_mosaic.version = 14 : i64} {
  func.func @emb_gather(%arg0: i32, %arg1: i32, %arg2: memref<1000000x64xf32, #tpu.memory_space<hbm>>, %arg3: memref<4096x72xi32, #tpu.memory_space<hbm>>, %arg4: memref<4096x72x64xf32, #tpu.memory_space<hbm>>, %arg5: memref<128x72xi32, #tpu.memory_space<vmem>>, %arg6: memref<4x72x64xf32, #tpu.memory_space<vmem>>, %arg7: memref<!tpu.dma_semaphore, #tpu.memory_space<semaphore_mem>>, %arg8: memref<!tpu.dma_semaphore, #tpu.memory_space<semaphore_mem>>) attributes {dimension_semantics = [#tpu.dimension_semantics<core_parallel>, #tpu.dimension_semantics<subcore_parallel>], iteration_bounds = array<i64: 2, 16>, scalar_prefetch = 0 : i64, scratch_operands = 4 : i64, tpu.core_type = #tpu.core_type<sc_vector_subcore>, window_params = [{transform_indices = #map}, {transform_indices = #map}, {transform_indices = #map1}]} {
    %mul3A = arith.constant 2 : i32
    %mul3A_0 = arith.muli %arg1, %mul3A : i32
    %add3A = arith.addi %mul3A_0, %arg0 : i32
    %mul3A_1 = arith.constant 128 : i32
    %mul3A_2 = arith.muli %add3A, %mul3A_1 : i32
    "tpu.region"() ({
      %run_scoped3A = tpu.sem_alloc : memref<!tpu.dma_semaphore, #tpu.memory_space<semaphore_mem>>
      %dma_start3A_69 = arith.constant 0 : i32
      %dma_start3A_70 = tpu.memref_slice %arg3[%mul3A_2, %dma_start3A_69] : memref<4096x72xi32, #tpu.memory_space<hbm>> -> memref<128x72xi32, #tpu.memory_space<hbm>>
      %dma_start3A_71 = arith.constant 0 : i32
      %dma_start3A_72 = tpu.memref_slice %arg3[%mul3A_2, %dma_start3A_71] : memref<4096x72xi32, #tpu.memory_space<hbm>> -> memref<128x72xi32, #tpu.memory_space<hbm>>
      tpu.enqueue_dma source(%dma_start3A_72 : memref<128x72xi32, #tpu.memory_space<hbm>>) target(%arg5 : memref<128x72xi32, #tpu.memory_space<vmem>>) target_semaphore(%run_scoped3A : memref<!tpu.dma_semaphore, #tpu.memory_space<semaphore_mem>>)
      %dma_wait3A_73 = arith.constant 0 : i32
      %dma_wait3A_74 = tpu.memref_slice %arg3[%mul3A_2, %dma_wait3A_73] : memref<4096x72xi32, #tpu.memory_space<hbm>> -> memref<128x72xi32, #tpu.memory_space<hbm>>
      %dma_wait3A_75 = arith.constant 0 : i32
      %dma_wait3A_76 = tpu.memref_slice %arg3[%mul3A_2, %dma_wait3A_75] : memref<4096x72xi32, #tpu.memory_space<hbm>> -> memref<128x72xi32, #tpu.memory_space<hbm>>
      tpu.wait_dma2 semaphore(%run_scoped3A : memref<!tpu.dma_semaphore, #tpu.memory_space<semaphore_mem>>) src(%dma_wait3A_76 : memref<128x72xi32, #tpu.memory_space<hbm>>) dst(%arg5 : memref<128x72xi32, #tpu.memory_space<vmem>>)
      tpu.yield
    }) : () -> ()
    %dma_start3A = arith.constant 0 : i32
    %dma_start3A_3 = arith.constant 0 : i32
    %dma_start3A_4 = arith.constant 0 : i32
    %dma_start3A_5 = arith.constant 0 : i32
    %dma_start3A_6 = tpu.memref_slice %arg6[%dma_start3A_3, %dma_start3A_4, %dma_start3A_5] : memref<4x72x64xf32, #tpu.memory_space<vmem>> -> memref<1x72x64xf32, #tpu.memory_space<vmem>>
    %dma_start3A_7 = tpu.memref_squeeze %dma_start3A_6 : memref<1x72x64xf32, #tpu.memory_space<vmem>> -> memref<72x64xf32, #tpu.memory_space<vmem>>
    %dma_start3A_8 = arith.constant 0 : i32
    %dma_start3A_9 = tpu.memref_slice %arg5[%dma_start3A, %dma_start3A_8] : memref<128x72xi32, #tpu.memory_space<vmem>> -> memref<1x72xi32, #tpu.memory_space<vmem>>
    %dma_start3A_10 = tpu.memref_squeeze %dma_start3A_9 : memref<1x72xi32, #tpu.memory_space<vmem>> -> memref<72xi32, #tpu.memory_space<vmem>>
    %dma_start3A_11 = arith.constant 0 : i32
    %dma_start3A_12 = arith.constant 0 : i32
    %dma_start3A_13 = tpu.memref_slice %arg2[%dma_start3A_11, %dma_start3A_12] : memref<1000000x64xf32, #tpu.memory_space<hbm>> -> memref<1000000x64xf32, #tpu.memory_space<hbm>>
    tpu.enqueue_indirect_dma source(%dma_start3A_13 : memref<1000000x64xf32, #tpu.memory_space<hbm>>) target(%dma_start3A_7 : memref<72x64xf32, #tpu.memory_space<vmem>>) offsets(%dma_start3A_10 : memref<72xi32, #tpu.memory_space<vmem>>) semaphore(%arg7 : memref<!tpu.dma_semaphore, #tpu.memory_space<semaphore_mem>>)
    %scan3A = arith.constant 0 : i32
    %scan3A_14 = arith.constant 0 : i32
    %scan3A_15 = arith.constant 32 : i32
    %scan3A_16 = arith.addi %scan3A_14, %scan3A_15 : i32
    %scan3A_17 = arith.constant 1 : i32
    scf.for %scan3A_69 = %scan3A_14 to %scan3A_16 step %scan3A_17  : i32 {
      %mul3A_70 = arith.constant 4 : i32
      %mul3A_71 = arith.muli %scan3A_69, %mul3A_70 : i32
      %add3A_72 = arith.constant 0 : i32
      %add3A_73 = arith.addi %mul3A_71, %add3A_72 : i32
      %gt3A = arith.constant 0 : i32
      %gt3A_74 = arith.cmpi sgt, %scan3A_69, %gt3A : i32
      %convert_element_type3A = arith.extui %gt3A_74 : i1 to i32
      %cond3A = arith.constant 0 : i32
      %cond3A_75 = arith.cmpi ne, %convert_element_type3A, %cond3A : i32
      scf.if %cond3A_75 {
        %dma_wait3A_278 = arith.constant 0 : i32
        %dma_wait3A_279 = arith.constant 0 : i32
        %dma_wait3A_280 = arith.constant 0 : i32
        %dma_wait3A_281 = tpu.memref_slice %arg6[%dma_wait3A_278, %dma_wait3A_279, %dma_wait3A_280] : memref<4x72x64xf32, #tpu.memory_space<vmem>> -> memref<1x72x64xf32, #tpu.memory_space<vmem>>
        %dma_wait3A_282 = tpu.memref_squeeze %dma_wait3A_281 : memref<1x72x64xf32, #tpu.memory_space<vmem>> -> memref<72x64xf32, #tpu.memory_space<vmem>>
        %dma_wait3A_283 = arith.constant 0 : i32
        %dma_wait3A_284 = arith.constant 0 : i32
        %dma_wait3A_285 = tpu.memref_slice %arg4[%mul3A_2, %dma_wait3A_283, %dma_wait3A_284] : memref<4096x72x64xf32, #tpu.memory_space<hbm>> -> memref<1x72x64xf32, #tpu.memory_space<hbm>>
        %dma_wait3A_286 = tpu.memref_squeeze %dma_wait3A_285 : memref<1x72x64xf32, #tpu.memory_space<hbm>> -> memref<72x64xf32, #tpu.memory_space<hbm>>
        %dma_wait3A_287 = arith.constant 0 : i32
        %dma_wait3A_288 = arith.constant 0 : i32
        %dma_wait3A_289 = tpu.memref_slice %arg4[%mul3A_2, %dma_wait3A_287, %dma_wait3A_288] : memref<4096x72x64xf32, #tpu.memory_space<hbm>> -> memref<1x72x64xf32, #tpu.memory_space<hbm>>
        %dma_wait3A_290 = tpu.memref_squeeze %dma_wait3A_289 : memref<1x72x64xf32, #tpu.memory_space<hbm>> -> memref<72x64xf32, #tpu.memory_space<hbm>>
        %dma_wait3A_291 = arith.constant 0 : i32
        %dma_wait3A_292 = arith.constant 0 : i32
        %dma_wait3A_293 = tpu.memref_slice %arg6[%dma_wait3A_278, %dma_wait3A_291, %dma_wait3A_292] : memref<4x72x64xf32, #tpu.memory_space<vmem>> -> memref<1x72x64xf32, #tpu.memory_space<vmem>>
        %dma_wait3A_294 = tpu.memref_squeeze %dma_wait3A_293 : memref<1x72x64xf32, #tpu.memory_space<vmem>> -> memref<72x64xf32, #tpu.memory_space<vmem>>
        tpu.wait_dma2 semaphore(%arg8 : memref<!tpu.dma_semaphore, #tpu.memory_space<semaphore_mem>>) src(%dma_wait3A_294 : memref<72x64xf32, #tpu.memory_space<vmem>>) dst(%dma_wait3A_290 : memref<72x64xf32, #tpu.memory_space<hbm>>)
      } else {
      }
      %add3A_76 = arith.constant 1 : i32
      %add3A_77 = arith.addi %add3A_73, %add3A_76 : i32
      %dma_start3A_78 = arith.constant 1 : i32
      %dma_start3A_79 = arith.constant 0 : i32
      %dma_start3A_80 = arith.constant 0 : i32
      %dma_start3A_81 = tpu.memref_slice %arg6[%dma_start3A_78, %dma_start3A_79, %dma_start3A_80] : memref<4x72x64xf32, #tpu.memory_space<vmem>> -> memref<1x72x64xf32, #tpu.memory_space<vmem>>
      %dma_start3A_82 = tpu.memref_squeeze %dma_start3A_81 : memref<1x72x64xf32, #tpu.memory_space<vmem>> -> memref<72x64xf32, #tpu.memory_space<vmem>>
      %dma_start3A_83 = arith.constant 0 : i32
      %dma_start3A_84 = tpu.memref_slice %arg5[%add3A_77, %dma_start3A_83] : memref<128x72xi32, #tpu.memory_space<vmem>> -> memref<1x72xi32, #tpu.memory_space<vmem>>
      %dma_start3A_85 = tpu.memref_squeeze %dma_start3A_84 : memref<1x72xi32, #tpu.memory_space<vmem>> -> memref<72xi32, #tpu.memory_space<vmem>>
      %dma_start3A_86 = arith.constant 0 : i32
      %dma_start3A_87 = arith.constant 0 : i32
      %dma_start3A_88 = tpu.memref_slice %arg2[%dma_start3A_86, %dma_start3A_87] : memref<1000000x64xf32, #tpu.memory_space<hbm>> -> memref<1000000x64xf32, #tpu.memory_space<hbm>>
      tpu.enqueue_indirect_dma source(%dma_start3A_88 : memref<1000000x64xf32, #tpu.memory_space<hbm>>) target(%dma_start3A_82 : memref<72x64xf32, #tpu.memory_space<vmem>>) offsets(%dma_start3A_85 : memref<72xi32, #tpu.memory_space<vmem>>) semaphore(%arg7 : memref<!tpu.dma_semaphore, #tpu.memory_space<semaphore_mem>>)
      %dma_wait3A_89 = arith.constant 0 : i32
      %dma_wait3A_90 = arith.constant 0 : i32
      %dma_wait3A_91 = arith.constant 0 : i32
      %dma_wait3A_92 = arith.constant 0 : i32
      %dma_wait3A_93 = tpu.memref_slice %arg6[%dma_wait3A_90, %dma_wait3A_91, %dma_wait3A_92] : memref<4x72x64xf32, #tpu.memory_space<vmem>> -> memref<1x72x64xf32, #tpu.memory_space<vmem>>
      %dma_wait3A_94 = tpu.memref_squeeze %dma_wait3A_93 : memref<1x72x64xf32, #tpu.memory_space<vmem>> -> memref<72x64xf32, #tpu.memory_space<vmem>>
      %dma_wait3A_95 = arith.constant 0 : i32
      %dma_wait3A_96 = tpu.memref_slice %arg5[%dma_wait3A_89, %dma_wait3A_95] : memref<128x72xi32, #tpu.memory_space<vmem>> -> memref<1x72xi32, #tpu.memory_space<vmem>>
      %dma_wait3A_97 = tpu.memref_squeeze %dma_wait3A_96 : memref<1x72xi32, #tpu.memory_space<vmem>> -> memref<72xi32, #tpu.memory_space<vmem>>
      %dma_wait3A_98 = arith.constant 0 : i32
      %dma_wait3A_99 = arith.constant 0 : i32
      %dma_wait3A_100 = tpu.memref_slice %arg2[%dma_wait3A_98, %dma_wait3A_99] : memref<1000000x64xf32, #tpu.memory_space<hbm>> -> memref<1000000x64xf32, #tpu.memory_space<hbm>>
      tpu.wait_indirect_dma semaphore(%arg7 : memref<!tpu.dma_semaphore, #tpu.memory_space<semaphore_mem>>) src(%dma_wait3A_100 : memref<1000000x64xf32, #tpu.memory_space<hbm>>) dst(%dma_wait3A_94 : memref<72x64xf32, #tpu.memory_space<vmem>>)
      %add3A_101 = arith.addi %mul3A_2, %add3A_73 : i32
      %dma_start3A_102 = arith.constant 0 : i32
      %dma_start3A_103 = arith.constant 0 : i32
      %dma_start3A_104 = arith.constant 0 : i32
      %dma_start3A_105 = tpu.memref_slice %arg6[%dma_start3A_102, %dma_start3A_103, %dma_start3A_104] : memref<4x72x64xf32, #tpu.memory_space<vmem>> -> memref<1x72x64xf32, #tpu.memory_space<vmem>>
      %dma_start3A_106 = tpu.memref_squeeze %dma_start3A_105 : memref<1x72x64xf32, #tpu.memory_space<vmem>> -> memref<72x64xf32, #tpu.memory_space<vmem>>
      %dma_start3A_107 = arith.constant 0 : i32
      %dma_start3A_108 = arith.constant 0 : i32
      %dma_start3A_109 = tpu.memref_slice %arg4[%add3A_101, %dma_start3A_107, %dma_start3A_108] : memref<4096x72x64xf32, #tpu.memory_space<hbm>> -> memref<1x72x64xf32, #tpu.memory_space<hbm>>
      %dma_start3A_110 = tpu.memref_squeeze %dma_start3A_109 : memref<1x72x64xf32, #tpu.memory_space<hbm>> -> memref<72x64xf32, #tpu.memory_space<hbm>>
      %dma_start3A_111 = arith.constant 0 : i32
      %dma_start3A_112 = arith.constant 0 : i32
      %dma_start3A_113 = tpu.memref_slice %arg4[%add3A_101, %dma_start3A_111, %dma_start3A_112] : memref<4096x72x64xf32, #tpu.memory_space<hbm>> -> memref<1x72x64xf32, #tpu.memory_space<hbm>>
      %dma_start3A_114 = tpu.memref_squeeze %dma_start3A_113 : memref<1x72x64xf32, #tpu.memory_space<hbm>> -> memref<72x64xf32, #tpu.memory_space<hbm>>
      %dma_start3A_115 = arith.constant 0 : i32
      %dma_start3A_116 = arith.constant 0 : i32
      %dma_start3A_117 = tpu.memref_slice %arg6[%dma_start3A_102, %dma_start3A_115, %dma_start3A_116] : memref<4x72x64xf32, #tpu.memory_space<vmem>> -> memref<1x72x64xf32, #tpu.memory_space<vmem>>
      %dma_start3A_118 = tpu.memref_squeeze %dma_start3A_117 : memref<1x72x64xf32, #tpu.memory_space<vmem>> -> memref<72x64xf32, #tpu.memory_space<vmem>>
      tpu.enqueue_dma source(%dma_start3A_118 : memref<72x64xf32, #tpu.memory_space<vmem>>) target(%dma_start3A_114 : memref<72x64xf32, #tpu.memory_space<hbm>>) target_semaphore(%arg8 : memref<!tpu.dma_semaphore, #tpu.memory_space<semaphore_mem>>)
      %mul3A_119 = arith.constant 4 : i32
      %mul3A_120 = arith.muli %scan3A_69, %mul3A_119 : i32
      %add3A_121 = arith.constant 1 : i32
      %add3A_122 = arith.addi %mul3A_120, %add3A_121 : i32
      %gt3A_123 = arith.constant 0 : i32
      %gt3A_124 = arith.cmpi sgt, %scan3A_69, %gt3A_123 : i32
      %convert_element_type3A_125 = arith.extui %gt3A_124 : i1 to i32
      %cond3A_126 = arith.constant 0 : i32
      %cond3A_127 = arith.cmpi ne, %convert_element_type3A_125, %cond3A_126 : i32
      scf.if %cond3A_127 {
        %dma_wait3A_278 = arith.constant 0 : i32
        %dma_wait3A_279 = arith.constant 0 : i32
        %dma_wait3A_280 = arith.constant 0 : i32
        %dma_wait3A_281 = tpu.memref_slice %arg6[%dma_wait3A_278, %dma_wait3A_279, %dma_wait3A_280] : memref<4x72x64xf32, #tpu.memory_space<vmem>> -> memref<1x72x64xf32, #tpu.memory_space<vmem>>
        %dma_wait3A_282 = tpu.memref_squeeze %dma_wait3A_281 : memref<1x72x64xf32, #tpu.memory_space<vmem>> -> memref<72x64xf32, #tpu.memory_space<vmem>>
        %dma_wait3A_283 = arith.constant 0 : i32
        %dma_wait3A_284 = arith.constant 0 : i32
        %dma_wait3A_285 = tpu.memref_slice %arg4[%mul3A_2, %dma_wait3A_283, %dma_wait3A_284] : memref<4096x72x64xf32, #tpu.memory_space<hbm>> -> memref<1x72x64xf32, #tpu.memory_space<hbm>>
        %dma_wait3A_286 = tpu.memref_squeeze %dma_wait3A_285 : memref<1x72x64xf32, #tpu.memory_space<hbm>> -> memref<72x64xf32, #tpu.memory_space<hbm>>
        %dma_wait3A_287 = arith.constant 0 : i32
        %dma_wait3A_288 = arith.constant 0 : i32
        %dma_wait3A_289 = tpu.memref_slice %arg4[%mul3A_2, %dma_wait3A_287, %dma_wait3A_288] : memref<4096x72x64xf32, #tpu.memory_space<hbm>> -> memref<1x72x64xf32, #tpu.memory_space<hbm>>
        %dma_wait3A_290 = tpu.memref_squeeze %dma_wait3A_289 : memref<1x72x64xf32, #tpu.memory_space<hbm>> -> memref<72x64xf32, #tpu.memory_space<hbm>>
        %dma_wait3A_291 = arith.constant 0 : i32
        %dma_wait3A_292 = arith.constant 0 : i32
        %dma_wait3A_293 = tpu.memref_slice %arg6[%dma_wait3A_278, %dma_wait3A_291, %dma_wait3A_292] : memref<4x72x64xf32, #tpu.memory_space<vmem>> -> memref<1x72x64xf32, #tpu.memory_space<vmem>>
        %dma_wait3A_294 = tpu.memref_squeeze %dma_wait3A_293 : memref<1x72x64xf32, #tpu.memory_space<vmem>> -> memref<72x64xf32, #tpu.memory_space<vmem>>
        tpu.wait_dma2 semaphore(%arg8 : memref<!tpu.dma_semaphore, #tpu.memory_space<semaphore_mem>>) src(%dma_wait3A_294 : memref<72x64xf32, #tpu.memory_space<vmem>>) dst(%dma_wait3A_290 : memref<72x64xf32, #tpu.memory_space<hbm>>)
      } else {
      }
      %add3A_128 = arith.constant 1 : i32
      %add3A_129 = arith.addi %add3A_122, %add3A_128 : i32
      %dma_start3A_130 = arith.constant 2 : i32
      %dma_start3A_131 = arith.constant 0 : i32
      %dma_start3A_132 = arith.constant 0 : i32
      %dma_start3A_133 = tpu.memref_slice %arg6[%dma_start3A_130, %dma_start3A_131, %dma_start3A_132] : memref<4x72x64xf32, #tpu.memory_space<vmem>> -> memref<1x72x64xf32, #tpu.memory_space<vmem>>
      %dma_start3A_134 = tpu.memref_squeeze %dma_start3A_133 : memref<1x72x64xf32, #tpu.memory_space<vmem>> -> memref<72x64xf32, #tpu.memory_space<vmem>>
      %dma_start3A_135 = arith.constant 0 : i32
      %dma_start3A_136 = tpu.memref_slice %arg5[%add3A_129, %dma_start3A_135] : memref<128x72xi32, #tpu.memory_space<vmem>> -> memref<1x72xi32, #tpu.memory_space<vmem>>
      %dma_start3A_137 = tpu.memref_squeeze %dma_start3A_136 : memref<1x72xi32, #tpu.memory_space<vmem>> -> memref<72xi32, #tpu.memory_space<vmem>>
      %dma_start3A_138 = arith.constant 0 : i32
      %dma_start3A_139 = arith.constant 0 : i32
      %dma_start3A_140 = tpu.memref_slice %arg2[%dma_start3A_138, %dma_start3A_139] : memref<1000000x64xf32, #tpu.memory_space<hbm>> -> memref<1000000x64xf32, #tpu.memory_space<hbm>>
      tpu.enqueue_indirect_dma source(%dma_start3A_140 : memref<1000000x64xf32, #tpu.memory_space<hbm>>) target(%dma_start3A_134 : memref<72x64xf32, #tpu.memory_space<vmem>>) offsets(%dma_start3A_137 : memref<72xi32, #tpu.memory_space<vmem>>) semaphore(%arg7 : memref<!tpu.dma_semaphore, #tpu.memory_space<semaphore_mem>>)
      %dma_wait3A_141 = arith.constant 0 : i32
      %dma_wait3A_142 = arith.constant 1 : i32
      %dma_wait3A_143 = arith.constant 0 : i32
      %dma_wait3A_144 = arith.constant 0 : i32
      %dma_wait3A_145 = tpu.memref_slice %arg6[%dma_wait3A_142, %dma_wait3A_143, %dma_wait3A_144] : memref<4x72x64xf32, #tpu.memory_space<vmem>> -> memref<1x72x64xf32, #tpu.memory_space<vmem>>
      %dma_wait3A_146 = tpu.memref_squeeze %dma_wait3A_145 : memref<1x72x64xf32, #tpu.memory_space<vmem>> -> memref<72x64xf32, #tpu.memory_space<vmem>>
      %dma_wait3A_147 = arith.constant 0 : i32
      %dma_wait3A_148 = tpu.memref_slice %arg5[%dma_wait3A_141, %dma_wait3A_147] : memref<128x72xi32, #tpu.memory_space<vmem>> -> memref<1x72xi32, #tpu.memory_space<vmem>>
      %dma_wait3A_149 = tpu.memref_squeeze %dma_wait3A_148 : memref<1x72xi32, #tpu.memory_space<vmem>> -> memref<72xi32, #tpu.memory_space<vmem>>
      %dma_wait3A_150 = arith.constant 0 : i32
      %dma_wait3A_151 = arith.constant 0 : i32
      %dma_wait3A_152 = tpu.memref_slice %arg2[%dma_wait3A_150, %dma_wait3A_151] : memref<1000000x64xf32, #tpu.memory_space<hbm>> -> memref<1000000x64xf32, #tpu.memory_space<hbm>>
      tpu.wait_indirect_dma semaphore(%arg7 : memref<!tpu.dma_semaphore, #tpu.memory_space<semaphore_mem>>) src(%dma_wait3A_152 : memref<1000000x64xf32, #tpu.memory_space<hbm>>) dst(%dma_wait3A_146 : memref<72x64xf32, #tpu.memory_space<vmem>>)
      %add3A_153 = arith.addi %mul3A_2, %add3A_122 : i32
      %dma_start3A_154 = arith.constant 1 : i32
      %dma_start3A_155 = arith.constant 0 : i32
      %dma_start3A_156 = arith.constant 0 : i32
      %dma_start3A_157 = tpu.memref_slice %arg6[%dma_start3A_154, %dma_start3A_155, %dma_start3A_156] : memref<4x72x64xf32, #tpu.memory_space<vmem>> -> memref<1x72x64xf32, #tpu.memory_space<vmem>>
      %dma_start3A_158 = tpu.memref_squeeze %dma_start3A_157 : memref<1x72x64xf32, #tpu.memory_space<vmem>> -> memref<72x64xf32, #tpu.memory_space<vmem>>
      %dma_start3A_159 = arith.constant 0 : i32
      %dma_start3A_160 = arith.constant 0 : i32
      %dma_start3A_161 = tpu.memref_slice %arg4[%add3A_153, %dma_start3A_159, %dma_start3A_160] : memref<4096x72x64xf32, #tpu.memory_space<hbm>> -> memref<1x72x64xf32, #tpu.memory_space<hbm>>
      %dma_start3A_162 = tpu.memref_squeeze %dma_start3A_161 : memref<1x72x64xf32, #tpu.memory_space<hbm>> -> memref<72x64xf32, #tpu.memory_space<hbm>>
      %dma_start3A_163 = arith.constant 0 : i32
      %dma_start3A_164 = arith.constant 0 : i32
      %dma_start3A_165 = tpu.memref_slice %arg4[%add3A_153, %dma_start3A_163, %dma_start3A_164] : memref<4096x72x64xf32, #tpu.memory_space<hbm>> -> memref<1x72x64xf32, #tpu.memory_space<hbm>>
      %dma_start3A_166 = tpu.memref_squeeze %dma_start3A_165 : memref<1x72x64xf32, #tpu.memory_space<hbm>> -> memref<72x64xf32, #tpu.memory_space<hbm>>
      %dma_start3A_167 = arith.constant 0 : i32
      %dma_start3A_168 = arith.constant 0 : i32
      %dma_start3A_169 = tpu.memref_slice %arg6[%dma_start3A_154, %dma_start3A_167, %dma_start3A_168] : memref<4x72x64xf32, #tpu.memory_space<vmem>> -> memref<1x72x64xf32, #tpu.memory_space<vmem>>
      %dma_start3A_170 = tpu.memref_squeeze %dma_start3A_169 : memref<1x72x64xf32, #tpu.memory_space<vmem>> -> memref<72x64xf32, #tpu.memory_space<vmem>>
      tpu.enqueue_dma source(%dma_start3A_170 : memref<72x64xf32, #tpu.memory_space<vmem>>) target(%dma_start3A_166 : memref<72x64xf32, #tpu.memory_space<hbm>>) target_semaphore(%arg8 : memref<!tpu.dma_semaphore, #tpu.memory_space<semaphore_mem>>)
      %mul3A_171 = arith.constant 4 : i32
      %mul3A_172 = arith.muli %scan3A_69, %mul3A_171 : i32
      %add3A_173 = arith.constant 2 : i32
      %add3A_174 = arith.addi %mul3A_172, %add3A_173 : i32
      %gt3A_175 = arith.constant 0 : i32
      %gt3A_176 = arith.cmpi sgt, %scan3A_69, %gt3A_175 : i32
      %convert_element_type3A_177 = arith.extui %gt3A_176 : i1 to i32
      %cond3A_178 = arith.constant 0 : i32
      %cond3A_179 = arith.cmpi ne, %convert_element_type3A_177, %cond3A_178 : i32
      scf.if %cond3A_179 {
        %dma_wait3A_278 = arith.constant 0 : i32
        %dma_wait3A_279 = arith.constant 0 : i32
        %dma_wait3A_280 = arith.constant 0 : i32
        %dma_wait3A_281 = tpu.memref_slice %arg6[%dma_wait3A_278, %dma_wait3A_279, %dma_wait3A_280] : memref<4x72x64xf32, #tpu.memory_space<vmem>> -> memref<1x72x64xf32, #tpu.memory_space<vmem>>
        %dma_wait3A_282 = tpu.memref_squeeze %dma_wait3A_281 : memref<1x72x64xf32, #tpu.memory_space<vmem>> -> memref<72x64xf32, #tpu.memory_space<vmem>>
        %dma_wait3A_283 = arith.constant 0 : i32
        %dma_wait3A_284 = arith.constant 0 : i32
        %dma_wait3A_285 = tpu.memref_slice %arg4[%mul3A_2, %dma_wait3A_283, %dma_wait3A_284] : memref<4096x72x64xf32, #tpu.memory_space<hbm>> -> memref<1x72x64xf32, #tpu.memory_space<hbm>>
        %dma_wait3A_286 = tpu.memref_squeeze %dma_wait3A_285 : memref<1x72x64xf32, #tpu.memory_space<hbm>> -> memref<72x64xf32, #tpu.memory_space<hbm>>
        %dma_wait3A_287 = arith.constant 0 : i32
        %dma_wait3A_288 = arith.constant 0 : i32
        %dma_wait3A_289 = tpu.memref_slice %arg4[%mul3A_2, %dma_wait3A_287, %dma_wait3A_288] : memref<4096x72x64xf32, #tpu.memory_space<hbm>> -> memref<1x72x64xf32, #tpu.memory_space<hbm>>
        %dma_wait3A_290 = tpu.memref_squeeze %dma_wait3A_289 : memref<1x72x64xf32, #tpu.memory_space<hbm>> -> memref<72x64xf32, #tpu.memory_space<hbm>>
        %dma_wait3A_291 = arith.constant 0 : i32
        %dma_wait3A_292 = arith.constant 0 : i32
        %dma_wait3A_293 = tpu.memref_slice %arg6[%dma_wait3A_278, %dma_wait3A_291, %dma_wait3A_292] : memref<4x72x64xf32, #tpu.memory_space<vmem>> -> memref<1x72x64xf32, #tpu.memory_space<vmem>>
        %dma_wait3A_294 = tpu.memref_squeeze %dma_wait3A_293 : memref<1x72x64xf32, #tpu.memory_space<vmem>> -> memref<72x64xf32, #tpu.memory_space<vmem>>
        tpu.wait_dma2 semaphore(%arg8 : memref<!tpu.dma_semaphore, #tpu.memory_space<semaphore_mem>>) src(%dma_wait3A_294 : memref<72x64xf32, #tpu.memory_space<vmem>>) dst(%dma_wait3A_290 : memref<72x64xf32, #tpu.memory_space<hbm>>)
      } else {
      }
      %add3A_180 = arith.constant 1 : i32
      %add3A_181 = arith.addi %add3A_174, %add3A_180 : i32
      %dma_start3A_182 = arith.constant 3 : i32
      %dma_start3A_183 = arith.constant 0 : i32
      %dma_start3A_184 = arith.constant 0 : i32
      %dma_start3A_185 = tpu.memref_slice %arg6[%dma_start3A_182, %dma_start3A_183, %dma_start3A_184] : memref<4x72x64xf32, #tpu.memory_space<vmem>> -> memref<1x72x64xf32, #tpu.memory_space<vmem>>
      %dma_start3A_186 = tpu.memref_squeeze %dma_start3A_185 : memref<1x72x64xf32, #tpu.memory_space<vmem>> -> memref<72x64xf32, #tpu.memory_space<vmem>>
      %dma_start3A_187 = arith.constant 0 : i32
      %dma_start3A_188 = tpu.memref_slice %arg5[%add3A_181, %dma_start3A_187] : memref<128x72xi32, #tpu.memory_space<vmem>> -> memref<1x72xi32, #tpu.memory_space<vmem>>
      %dma_start3A_189 = tpu.memref_squeeze %dma_start3A_188 : memref<1x72xi32, #tpu.memory_space<vmem>> -> memref<72xi32, #tpu.memory_space<vmem>>
      %dma_start3A_190 = arith.constant 0 : i32
      %dma_start3A_191 = arith.constant 0 : i32
      %dma_start3A_192 = tpu.memref_slice %arg2[%dma_start3A_190, %dma_start3A_191] : memref<1000000x64xf32, #tpu.memory_space<hbm>> -> memref<1000000x64xf32, #tpu.memory_space<hbm>>
      tpu.enqueue_indirect_dma source(%dma_start3A_192 : memref<1000000x64xf32, #tpu.memory_space<hbm>>) target(%dma_start3A_186 : memref<72x64xf32, #tpu.memory_space<vmem>>) offsets(%dma_start3A_189 : memref<72xi32, #tpu.memory_space<vmem>>) semaphore(%arg7 : memref<!tpu.dma_semaphore, #tpu.memory_space<semaphore_mem>>)
      %dma_wait3A_193 = arith.constant 0 : i32
      %dma_wait3A_194 = arith.constant 2 : i32
      %dma_wait3A_195 = arith.constant 0 : i32
      %dma_wait3A_196 = arith.constant 0 : i32
      %dma_wait3A_197 = tpu.memref_slice %arg6[%dma_wait3A_194, %dma_wait3A_195, %dma_wait3A_196] : memref<4x72x64xf32, #tpu.memory_space<vmem>> -> memref<1x72x64xf32, #tpu.memory_space<vmem>>
      %dma_wait3A_198 = tpu.memref_squeeze %dma_wait3A_197 : memref<1x72x64xf32, #tpu.memory_space<vmem>> -> memref<72x64xf32, #tpu.memory_space<vmem>>
      %dma_wait3A_199 = arith.constant 0 : i32
      %dma_wait3A_200 = tpu.memref_slice %arg5[%dma_wait3A_193, %dma_wait3A_199] : memref<128x72xi32, #tpu.memory_space<vmem>> -> memref<1x72xi32, #tpu.memory_space<vmem>>
      %dma_wait3A_201 = tpu.memref_squeeze %dma_wait3A_200 : memref<1x72xi32, #tpu.memory_space<vmem>> -> memref<72xi32, #tpu.memory_space<vmem>>
      %dma_wait3A_202 = arith.constant 0 : i32
      %dma_wait3A_203 = arith.constant 0 : i32
      %dma_wait3A_204 = tpu.memref_slice %arg2[%dma_wait3A_202, %dma_wait3A_203] : memref<1000000x64xf32, #tpu.memory_space<hbm>> -> memref<1000000x64xf32, #tpu.memory_space<hbm>>
      tpu.wait_indirect_dma semaphore(%arg7 : memref<!tpu.dma_semaphore, #tpu.memory_space<semaphore_mem>>) src(%dma_wait3A_204 : memref<1000000x64xf32, #tpu.memory_space<hbm>>) dst(%dma_wait3A_198 : memref<72x64xf32, #tpu.memory_space<vmem>>)
      %add3A_205 = arith.addi %mul3A_2, %add3A_174 : i32
      %dma_start3A_206 = arith.constant 2 : i32
      %dma_start3A_207 = arith.constant 0 : i32
      %dma_start3A_208 = arith.constant 0 : i32
      %dma_start3A_209 = tpu.memref_slice %arg6[%dma_start3A_206, %dma_start3A_207, %dma_start3A_208] : memref<4x72x64xf32, #tpu.memory_space<vmem>> -> memref<1x72x64xf32, #tpu.memory_space<vmem>>
      %dma_start3A_210 = tpu.memref_squeeze %dma_start3A_209 : memref<1x72x64xf32, #tpu.memory_space<vmem>> -> memref<72x64xf32, #tpu.memory_space<vmem>>
      %dma_start3A_211 = arith.constant 0 : i32
      %dma_start3A_212 = arith.constant 0 : i32
      %dma_start3A_213 = tpu.memref_slice %arg4[%add3A_205, %dma_start3A_211, %dma_start3A_212] : memref<4096x72x64xf32, #tpu.memory_space<hbm>> -> memref<1x72x64xf32, #tpu.memory_space<hbm>>
      %dma_start3A_214 = tpu.memref_squeeze %dma_start3A_213 : memref<1x72x64xf32, #tpu.memory_space<hbm>> -> memref<72x64xf32, #tpu.memory_space<hbm>>
      %dma_start3A_215 = arith.constant 0 : i32
      %dma_start3A_216 = arith.constant 0 : i32
      %dma_start3A_217 = tpu.memref_slice %arg4[%add3A_205, %dma_start3A_215, %dma_start3A_216] : memref<4096x72x64xf32, #tpu.memory_space<hbm>> -> memref<1x72x64xf32, #tpu.memory_space<hbm>>
      %dma_start3A_218 = tpu.memref_squeeze %dma_start3A_217 : memref<1x72x64xf32, #tpu.memory_space<hbm>> -> memref<72x64xf32, #tpu.memory_space<hbm>>
      %dma_start3A_219 = arith.constant 0 : i32
      %dma_start3A_220 = arith.constant 0 : i32
      %dma_start3A_221 = tpu.memref_slice %arg6[%dma_start3A_206, %dma_start3A_219, %dma_start3A_220] : memref<4x72x64xf32, #tpu.memory_space<vmem>> -> memref<1x72x64xf32, #tpu.memory_space<vmem>>
      %dma_start3A_222 = tpu.memref_squeeze %dma_start3A_221 : memref<1x72x64xf32, #tpu.memory_space<vmem>> -> memref<72x64xf32, #tpu.memory_space<vmem>>
      tpu.enqueue_dma source(%dma_start3A_222 : memref<72x64xf32, #tpu.memory_space<vmem>>) target(%dma_start3A_218 : memref<72x64xf32, #tpu.memory_space<hbm>>) target_semaphore(%arg8 : memref<!tpu.dma_semaphore, #tpu.memory_space<semaphore_mem>>)
      %mul3A_223 = arith.constant 4 : i32
      %mul3A_224 = arith.muli %scan3A_69, %mul3A_223 : i32
      %add3A_225 = arith.constant 3 : i32
      %add3A_226 = arith.addi %mul3A_224, %add3A_225 : i32
      %dma_wait3A_227 = arith.constant 0 : i32
      %dma_wait3A_228 = arith.constant 0 : i32
      %dma_wait3A_229 = arith.constant 0 : i32
      %dma_wait3A_230 = tpu.memref_slice %arg6[%dma_wait3A_227, %dma_wait3A_228, %dma_wait3A_229] : memref<4x72x64xf32, #tpu.memory_space<vmem>> -> memref<1x72x64xf32, #tpu.memory_space<vmem>>
      %dma_wait3A_231 = tpu.memref_squeeze %dma_wait3A_230 : memref<1x72x64xf32, #tpu.memory_space<vmem>> -> memref<72x64xf32, #tpu.memory_space<vmem>>
      %dma_wait3A_232 = arith.constant 0 : i32
      %dma_wait3A_233 = arith.constant 0 : i32
      %dma_wait3A_234 = tpu.memref_slice %arg4[%mul3A_2, %dma_wait3A_232, %dma_wait3A_233] : memref<4096x72x64xf32, #tpu.memory_space<hbm>> -> memref<1x72x64xf32, #tpu.memory_space<hbm>>
      %dma_wait3A_235 = tpu.memref_squeeze %dma_wait3A_234 : memref<1x72x64xf32, #tpu.memory_space<hbm>> -> memref<72x64xf32, #tpu.memory_space<hbm>>
      %dma_wait3A_236 = arith.constant 0 : i32
      %dma_wait3A_237 = arith.constant 0 : i32
      %dma_wait3A_238 = tpu.memref_slice %arg4[%mul3A_2, %dma_wait3A_236, %dma_wait3A_237] : memref<4096x72x64xf32, #tpu.memory_space<hbm>> -> memref<1x72x64xf32, #tpu.memory_space<hbm>>
      %dma_wait3A_239 = tpu.memref_squeeze %dma_wait3A_238 : memref<1x72x64xf32, #tpu.memory_space<hbm>> -> memref<72x64xf32, #tpu.memory_space<hbm>>
      %dma_wait3A_240 = arith.constant 0 : i32
      %dma_wait3A_241 = arith.constant 0 : i32
      %dma_wait3A_242 = tpu.memref_slice %arg6[%dma_wait3A_227, %dma_wait3A_240, %dma_wait3A_241] : memref<4x72x64xf32, #tpu.memory_space<vmem>> -> memref<1x72x64xf32, #tpu.memory_space<vmem>>
      %dma_wait3A_243 = tpu.memref_squeeze %dma_wait3A_242 : memref<1x72x64xf32, #tpu.memory_space<vmem>> -> memref<72x64xf32, #tpu.memory_space<vmem>>
      tpu.wait_dma2 semaphore(%arg8 : memref<!tpu.dma_semaphore, #tpu.memory_space<semaphore_mem>>) src(%dma_wait3A_243 : memref<72x64xf32, #tpu.memory_space<vmem>>) dst(%dma_wait3A_239 : memref<72x64xf32, #tpu.memory_space<hbm>>)
      %lt3A = arith.constant 31 : i32
      %lt3A_244 = arith.cmpi slt, %scan3A_69, %lt3A : i32
      %convert_element_type3A_245 = arith.extui %lt3A_244 : i1 to i32
      %cond3A_246 = arith.constant 0 : i32
      %cond3A_247 = arith.cmpi ne, %convert_element_type3A_245, %cond3A_246 : i32
      scf.if %cond3A_247 {
        %add3A_278 = arith.constant 1 : i32
        %add3A_279 = arith.addi %add3A_226, %add3A_278 : i32
        %dma_start3A_280 = arith.constant 0 : i32
        %dma_start3A_281 = arith.constant 0 : i32
        %dma_start3A_282 = arith.constant 0 : i32
        %dma_start3A_283 = tpu.memref_slice %arg6[%dma_start3A_280, %dma_start3A_281, %dma_start3A_282] : memref<4x72x64xf32, #tpu.memory_space<vmem>> -> memref<1x72x64xf32, #tpu.memory_space<vmem>>
        %dma_start3A_284 = tpu.memref_squeeze %dma_start3A_283 : memref<1x72x64xf32, #tpu.memory_space<vmem>> -> memref<72x64xf32, #tpu.memory_space<vmem>>
        %dma_start3A_285 = arith.constant 0 : i32
        %dma_start3A_286 = tpu.memref_slice %arg5[%add3A_279, %dma_start3A_285] : memref<128x72xi32, #tpu.memory_space<vmem>> -> memref<1x72xi32, #tpu.memory_space<vmem>>
        %dma_start3A_287 = tpu.memref_squeeze %dma_start3A_286 : memref<1x72xi32, #tpu.memory_space<vmem>> -> memref<72xi32, #tpu.memory_space<vmem>>
        %dma_start3A_288 = arith.constant 0 : i32
        %dma_start3A_289 = arith.constant 0 : i32
        %dma_start3A_290 = tpu.memref_slice %arg2[%dma_start3A_288, %dma_start3A_289] : memref<1000000x64xf32, #tpu.memory_space<hbm>> -> memref<1000000x64xf32, #tpu.memory_space<hbm>>
        tpu.enqueue_indirect_dma source(%dma_start3A_290 : memref<1000000x64xf32, #tpu.memory_space<hbm>>) target(%dma_start3A_284 : memref<72x64xf32, #tpu.memory_space<vmem>>) offsets(%dma_start3A_287 : memref<72xi32, #tpu.memory_space<vmem>>) semaphore(%arg7 : memref<!tpu.dma_semaphore, #tpu.memory_space<semaphore_mem>>)
      } else {
      }
      %dma_wait3A_248 = arith.constant 0 : i32
      %dma_wait3A_249 = arith.constant 3 : i32
      %dma_wait3A_250 = arith.constant 0 : i32
      %dma_wait3A_251 = arith.constant 0 : i32
      %dma_wait3A_252 = tpu.memref_slice %arg6[%dma_wait3A_249, %dma_wait3A_250, %dma_wait3A_251] : memref<4x72x64xf32, #tpu.memory_space<vmem>> -> memref<1x72x64xf32, #tpu.memory_space<vmem>>
      %dma_wait3A_253 = tpu.memref_squeeze %dma_wait3A_252 : memref<1x72x64xf32, #tpu.memory_space<vmem>> -> memref<72x64xf32, #tpu.memory_space<vmem>>
      %dma_wait3A_254 = arith.constant 0 : i32
      %dma_wait3A_255 = tpu.memref_slice %arg5[%dma_wait3A_248, %dma_wait3A_254] : memref<128x72xi32, #tpu.memory_space<vmem>> -> memref<1x72xi32, #tpu.memory_space<vmem>>
      %dma_wait3A_256 = tpu.memref_squeeze %dma_wait3A_255 : memref<1x72xi32, #tpu.memory_space<vmem>> -> memref<72xi32, #tpu.memory_space<vmem>>
      %dma_wait3A_257 = arith.constant 0 : i32
      %dma_wait3A_258 = arith.constant 0 : i32
      %dma_wait3A_259 = tpu.memref_slice %arg2[%dma_wait3A_257, %dma_wait3A_258] : memref<1000000x64xf32, #tpu.memory_space<hbm>> -> memref<1000000x64xf32, #tpu.memory_space<hbm>>
      tpu.wait_indirect_dma semaphore(%arg7 : memref<!tpu.dma_semaphore, #tpu.memory_space<semaphore_mem>>) src(%dma_wait3A_259 : memref<1000000x64xf32, #tpu.memory_space<hbm>>) dst(%dma_wait3A_253 : memref<72x64xf32, #tpu.memory_space<vmem>>)
      %add3A_260 = arith.addi %mul3A_2, %add3A_226 : i32
      %dma_start3A_261 = arith.constant 3 : i32
      %dma_start3A_262 = arith.constant 0 : i32
      %dma_start3A_263 = arith.constant 0 : i32
      %dma_start3A_264 = tpu.memref_slice %arg6[%dma_start3A_261, %dma_start3A_262, %dma_start3A_263] : memref<4x72x64xf32, #tpu.memory_space<vmem>> -> memref<1x72x64xf32, #tpu.memory_space<vmem>>
      %dma_start3A_265 = tpu.memref_squeeze %dma_start3A_264 : memref<1x72x64xf32, #tpu.memory_space<vmem>> -> memref<72x64xf32, #tpu.memory_space<vmem>>
      %dma_start3A_266 = arith.constant 0 : i32
      %dma_start3A_267 = arith.constant 0 : i32
      %dma_start3A_268 = tpu.memref_slice %arg4[%add3A_260, %dma_start3A_266, %dma_start3A_267] : memref<4096x72x64xf32, #tpu.memory_space<hbm>> -> memref<1x72x64xf32, #tpu.memory_space<hbm>>
      %dma_start3A_269 = tpu.memref_squeeze %dma_start3A_268 : memref<1x72x64xf32, #tpu.memory_space<hbm>> -> memref<72x64xf32, #tpu.memory_space<hbm>>
      %dma_start3A_270 = arith.constant 0 : i32
      %dma_start3A_271 = arith.constant 0 : i32
      %dma_start3A_272 = tpu.memref_slice %arg4[%add3A_260, %dma_start3A_270, %dma_start3A_271] : memref<4096x72x64xf32, #tpu.memory_space<hbm>> -> memref<1x72x64xf32, #tpu.memory_space<hbm>>
      %dma_start3A_273 = tpu.memref_squeeze %dma_start3A_272 : memref<1x72x64xf32, #tpu.memory_space<hbm>> -> memref<72x64xf32, #tpu.memory_space<hbm>>
      %dma_start3A_274 = arith.constant 0 : i32
      %dma_start3A_275 = arith.constant 0 : i32
      %dma_start3A_276 = tpu.memref_slice %arg6[%dma_start3A_261, %dma_start3A_274, %dma_start3A_275] : memref<4x72x64xf32, #tpu.memory_space<vmem>> -> memref<1x72x64xf32, #tpu.memory_space<vmem>>
      %dma_start3A_277 = tpu.memref_squeeze %dma_start3A_276 : memref<1x72x64xf32, #tpu.memory_space<vmem>> -> memref<72x64xf32, #tpu.memory_space<vmem>>
      tpu.enqueue_dma source(%dma_start3A_277 : memref<72x64xf32, #tpu.memory_space<vmem>>) target(%dma_start3A_273 : memref<72x64xf32, #tpu.memory_space<hbm>>) target_semaphore(%arg8 : memref<!tpu.dma_semaphore, #tpu.memory_space<semaphore_mem>>)
    }
    %scan3A_18 = arith.constant 32 : i32
    %dma_wait3A = arith.constant 0 : i32
    %dma_wait3A_19 = arith.constant 0 : i32
    %dma_wait3A_20 = arith.constant 0 : i32
    %dma_wait3A_21 = tpu.memref_slice %arg6[%dma_wait3A, %dma_wait3A_19, %dma_wait3A_20] : memref<4x72x64xf32, #tpu.memory_space<vmem>> -> memref<1x72x64xf32, #tpu.memory_space<vmem>>
    %dma_wait3A_22 = tpu.memref_squeeze %dma_wait3A_21 : memref<1x72x64xf32, #tpu.memory_space<vmem>> -> memref<72x64xf32, #tpu.memory_space<vmem>>
    %dma_wait3A_23 = arith.constant 0 : i32
    %dma_wait3A_24 = arith.constant 0 : i32
    %dma_wait3A_25 = tpu.memref_slice %arg4[%mul3A_2, %dma_wait3A_23, %dma_wait3A_24] : memref<4096x72x64xf32, #tpu.memory_space<hbm>> -> memref<1x72x64xf32, #tpu.memory_space<hbm>>
    %dma_wait3A_26 = tpu.memref_squeeze %dma_wait3A_25 : memref<1x72x64xf32, #tpu.memory_space<hbm>> -> memref<72x64xf32, #tpu.memory_space<hbm>>
    %dma_wait3A_27 = arith.constant 0 : i32
    %dma_wait3A_28 = arith.constant 0 : i32
    %dma_wait3A_29 = tpu.memref_slice %arg4[%mul3A_2, %dma_wait3A_27, %dma_wait3A_28] : memref<4096x72x64xf32, #tpu.memory_space<hbm>> -> memref<1x72x64xf32, #tpu.memory_space<hbm>>
    %dma_wait3A_30 = tpu.memref_squeeze %dma_wait3A_29 : memref<1x72x64xf32, #tpu.memory_space<hbm>> -> memref<72x64xf32, #tpu.memory_space<hbm>>
    %dma_wait3A_31 = arith.constant 0 : i32
    %dma_wait3A_32 = arith.constant 0 : i32
    %dma_wait3A_33 = tpu.memref_slice %arg6[%dma_wait3A, %dma_wait3A_31, %dma_wait3A_32] : memref<4x72x64xf32, #tpu.memory_space<vmem>> -> memref<1x72x64xf32, #tpu.memory_space<vmem>>
    %dma_wait3A_34 = tpu.memref_squeeze %dma_wait3A_33 : memref<1x72x64xf32, #tpu.memory_space<vmem>> -> memref<72x64xf32, #tpu.memory_space<vmem>>
    tpu.wait_dma2 semaphore(%arg8 : memref<!tpu.dma_semaphore, #tpu.memory_space<semaphore_mem>>) src(%dma_wait3A_34 : memref<72x64xf32, #tpu.memory_space<vmem>>) dst(%dma_wait3A_30 : memref<72x64xf32, #tpu.memory_space<hbm>>)
    %dma_wait3A_35 = arith.constant 0 : i32
    %dma_wait3A_36 = arith.constant 0 : i32
    %dma_wait3A_37 = arith.constant 0 : i32
    %dma_wait3A_38 = tpu.memref_slice %arg6[%dma_wait3A_35, %dma_wait3A_36, %dma_wait3A_37] : memref<4x72x64xf32, #tpu.memory_space<vmem>> -> memref<1x72x64xf32, #tpu.memory_space<vmem>>
    %dma_wait3A_39 = tpu.memref_squeeze %dma_wait3A_38 : memref<1x72x64xf32, #tpu.memory_space<vmem>> -> memref<72x64xf32, #tpu.memory_space<vmem>>
    %dma_wait3A_40 = arith.constant 0 : i32
    %dma_wait3A_41 = arith.constant 0 : i32
    %dma_wait3A_42 = tpu.memref_slice %arg4[%mul3A_2, %dma_wait3A_40, %dma_wait3A_41] : memref<4096x72x64xf32, #tpu.memory_space<hbm>> -> memref<1x72x64xf32, #tpu.memory_space<hbm>>
    %dma_wait3A_43 = tpu.memref_squeeze %dma_wait3A_42 : memref<1x72x64xf32, #tpu.memory_space<hbm>> -> memref<72x64xf32, #tpu.memory_space<hbm>>
    %dma_wait3A_44 = arith.constant 0 : i32
    %dma_wait3A_45 = arith.constant 0 : i32
    %dma_wait3A_46 = tpu.memref_slice %arg4[%mul3A_2, %dma_wait3A_44, %dma_wait3A_45] : memref<4096x72x64xf32, #tpu.memory_space<hbm>> -> memref<1x72x64xf32, #tpu.memory_space<hbm>>
    %dma_wait3A_47 = tpu.memref_squeeze %dma_wait3A_46 : memref<1x72x64xf32, #tpu.memory_space<hbm>> -> memref<72x64xf32, #tpu.memory_space<hbm>>
    %dma_wait3A_48 = arith.constant 0 : i32
    %dma_wait3A_49 = arith.constant 0 : i32
    %dma_wait3A_50 = tpu.memref_slice %arg6[%dma_wait3A_35, %dma_wait3A_48, %dma_wait3A_49] : memref<4x72x64xf32, #tpu.memory_space<vmem>> -> memref<1x72x64xf32, #tpu.memory_space<vmem>>
    %dma_wait3A_51 = tpu.memref_squeeze %dma_wait3A_50 : memref<1x72x64xf32, #tpu.memory_space<vmem>> -> memref<72x64xf32, #tpu.memory_space<vmem>>
    tpu.wait_dma2 semaphore(%arg8 : memref<!tpu.dma_semaphore, #tpu.memory_space<semaphore_mem>>) src(%dma_wait3A_51 : memref<72x64xf32, #tpu.memory_space<vmem>>) dst(%dma_wait3A_47 : memref<72x64xf32, #tpu.memory_space<hbm>>)
    %dma_wait3A_52 = arith.constant 0 : i32
    %dma_wait3A_53 = arith.constant 0 : i32
    %dma_wait3A_54 = arith.constant 0 : i32
    %dma_wait3A_55 = tpu.memref_slice %arg6[%dma_wait3A_52, %dma_wait3A_53, %dma_wait3A_54] : memref<4x72x64xf32, #tpu.memory_space<vmem>> -> memref<1x72x64xf32, #tpu.memory_space<vmem>>
    %dma_wait3A_56 = tpu.memref_squeeze %dma_wait3A_55 : memref<1x72x64xf32, #tpu.memory_space<vmem>> -> memref<72x64xf32, #tpu.memory_space<vmem>>
    %dma_wait3A_57 = arith.constant 0 : i32
    %dma_wait3A_58 = arith.constant 0 : i32
    %dma_wait3A_59 = tpu.memref_slice %arg4[%mul3A_2, %dma_wait3A_57, %dma_wait3A_58] : memref<4096x72x64xf32, #tpu.memory_space<hbm>> -> memref<1x72x64xf32, #tpu.memory_space<hbm>>
    %dma_wait3A_60 = tpu.memref_squeeze %dma_wait3A_59 : memref<1x72x64xf32, #tpu.memory_space<hbm>> -> memref<72x64xf32, #tpu.memory_space<hbm>>
    %dma_wait3A_61 = arith.constant 0 : i32
    %dma_wait3A_62 = arith.constant 0 : i32
    %dma_wait3A_63 = tpu.memref_slice %arg4[%mul3A_2, %dma_wait3A_61, %dma_wait3A_62] : memref<4096x72x64xf32, #tpu.memory_space<hbm>> -> memref<1x72x64xf32, #tpu.memory_space<hbm>>
    %dma_wait3A_64 = tpu.memref_squeeze %dma_wait3A_63 : memref<1x72x64xf32, #tpu.memory_space<hbm>> -> memref<72x64xf32, #tpu.memory_space<hbm>>
    %dma_wait3A_65 = arith.constant 0 : i32
    %dma_wait3A_66 = arith.constant 0 : i32
    %dma_wait3A_67 = tpu.memref_slice %arg6[%dma_wait3A_52, %dma_wait3A_65, %dma_wait3A_66] : memref<4x72x64xf32, #tpu.memory_space<vmem>> -> memref<1x72x64xf32, #tpu.memory_space<vmem>>
    %dma_wait3A_68 = tpu.memref_squeeze %dma_wait3A_67 : memref<1x72x64xf32, #tpu.memory_space<vmem>> -> memref<72x64xf32, #tpu.memory_space<vmem>>
    tpu.wait_dma2 semaphore(%arg8 : memref<!tpu.dma_semaphore, #tpu.memory_space<semaphore_mem>>) src(%dma_wait3A_68 : memref<72x64xf32, #tpu.memory_space<vmem>>) dst(%dma_wait3A_64 : memref<72x64xf32, #tpu.memory_space<hbm>>)
    return
  }
}

#map = affine_map<(d0, d1) -> (0, 0)>
#map1 = affine_map<(d0, d1) -> (0, 0, 0)>
module attributes {stable_mosaic.version = 14 : i64} {
  func.func @emb_gather(%arg0: i32, %arg1: i32, %arg2: memref<1000000x64xf32, #tpu.memory_space<hbm>>, %arg3: memref<4096x128xi32, #tpu.memory_space<hbm>>, %arg4: memref<4096x128x64xf32, #tpu.memory_space<hbm>>, %arg5: memref<128x128xi32, #tpu.memory_space<vmem>>, %arg6: memref<4x128x64xf32, #tpu.memory_space<vmem>>, %arg7: memref<!tpu.dma_semaphore, #tpu.memory_space<semaphore_mem>>, %arg8: memref<!tpu.dma_semaphore, #tpu.memory_space<semaphore_mem>>) attributes {dimension_semantics = [#tpu.dimension_semantics<core_parallel>, #tpu.dimension_semantics<subcore_parallel>], iteration_bounds = array<i64: 2, 16>, scalar_prefetch = 0 : i64, scratch_operands = 4 : i64, tpu.core_type = #tpu.core_type<sc_vector_subcore>, window_params = [{transform_indices = #map}, {transform_indices = #map}, {transform_indices = #map1}]} {
    %mul3A = arith.constant 2 : i32
    %mul3A_0 = arith.muli %arg1, %mul3A : i32
    %add3A = arith.addi %mul3A_0, %arg0 : i32
    %mul3A_1 = arith.constant 128 : i32
    %mul3A_2 = arith.muli %add3A, %mul3A_1 : i32
    "tpu.region"() ({
      %run_scoped3A = tpu.sem_alloc : memref<!tpu.dma_semaphore, #tpu.memory_space<semaphore_mem>>
      %dma_start3A_69 = arith.constant 0 : i32
      %dma_start3A_70 = tpu.memref_slice %arg3[%mul3A_2, %dma_start3A_69] : memref<4096x128xi32, #tpu.memory_space<hbm>> -> memref<128x128xi32, #tpu.memory_space<hbm>>
      %dma_start3A_71 = arith.constant 0 : i32
      %dma_start3A_72 = tpu.memref_slice %arg3[%mul3A_2, %dma_start3A_71] : memref<4096x128xi32, #tpu.memory_space<hbm>> -> memref<128x128xi32, #tpu.memory_space<hbm>>
      tpu.enqueue_dma source(%dma_start3A_72 : memref<128x128xi32, #tpu.memory_space<hbm>>) target(%arg5 : memref<128x128xi32, #tpu.memory_space<vmem>>) target_semaphore(%run_scoped3A : memref<!tpu.dma_semaphore, #tpu.memory_space<semaphore_mem>>)
      %dma_wait3A_73 = arith.constant 0 : i32
      %dma_wait3A_74 = tpu.memref_slice %arg3[%mul3A_2, %dma_wait3A_73] : memref<4096x128xi32, #tpu.memory_space<hbm>> -> memref<128x128xi32, #tpu.memory_space<hbm>>
      %dma_wait3A_75 = arith.constant 0 : i32
      %dma_wait3A_76 = tpu.memref_slice %arg3[%mul3A_2, %dma_wait3A_75] : memref<4096x128xi32, #tpu.memory_space<hbm>> -> memref<128x128xi32, #tpu.memory_space<hbm>>
      tpu.wait_dma2 semaphore(%run_scoped3A : memref<!tpu.dma_semaphore, #tpu.memory_space<semaphore_mem>>) src(%dma_wait3A_76 : memref<128x128xi32, #tpu.memory_space<hbm>>) dst(%arg5 : memref<128x128xi32, #tpu.memory_space<vmem>>)
      tpu.yield
    }) : () -> ()
    %dma_start3A = arith.constant 0 : i32
    %dma_start3A_3 = arith.constant 0 : i32
    %dma_start3A_4 = arith.constant 0 : i32
    %dma_start3A_5 = arith.constant 0 : i32
    %dma_start3A_6 = tpu.memref_slice %arg6[%dma_start3A_3, %dma_start3A_4, %dma_start3A_5] : memref<4x128x64xf32, #tpu.memory_space<vmem>> -> memref<1x128x64xf32, #tpu.memory_space<vmem>>
    %dma_start3A_7 = tpu.memref_squeeze %dma_start3A_6 : memref<1x128x64xf32, #tpu.memory_space<vmem>> -> memref<128x64xf32, #tpu.memory_space<vmem>>
    %dma_start3A_8 = arith.constant 0 : i32
    %dma_start3A_9 = tpu.memref_slice %arg5[%dma_start3A, %dma_start3A_8] : memref<128x128xi32, #tpu.memory_space<vmem>> -> memref<1x128xi32, #tpu.memory_space<vmem>>
    %dma_start3A_10 = tpu.memref_squeeze %dma_start3A_9 : memref<1x128xi32, #tpu.memory_space<vmem>> -> memref<128xi32, #tpu.memory_space<vmem>>
    %dma_start3A_11 = arith.constant 0 : i32
    %dma_start3A_12 = arith.constant 0 : i32
    %dma_start3A_13 = tpu.memref_slice %arg2[%dma_start3A_11, %dma_start3A_12] : memref<1000000x64xf32, #tpu.memory_space<hbm>> -> memref<1000000x64xf32, #tpu.memory_space<hbm>>
    tpu.enqueue_indirect_dma source(%dma_start3A_13 : memref<1000000x64xf32, #tpu.memory_space<hbm>>) target(%dma_start3A_7 : memref<128x64xf32, #tpu.memory_space<vmem>>) offsets(%dma_start3A_10 : memref<128xi32, #tpu.memory_space<vmem>>) semaphore(%arg7 : memref<!tpu.dma_semaphore, #tpu.memory_space<semaphore_mem>>)
    %scan3A = arith.constant 0 : i32
    %scan3A_14 = arith.constant 0 : i32
    %scan3A_15 = arith.constant 32 : i32
    %scan3A_16 = arith.addi %scan3A_14, %scan3A_15 : i32
    %scan3A_17 = arith.constant 1 : i32
    scf.for %scan3A_69 = %scan3A_14 to %scan3A_16 step %scan3A_17  : i32 {
      %mul3A_70 = arith.constant 4 : i32
      %mul3A_71 = arith.muli %scan3A_69, %mul3A_70 : i32
      %add3A_72 = arith.constant 0 : i32
      %add3A_73 = arith.addi %mul3A_71, %add3A_72 : i32
      %gt3A = arith.constant 0 : i32
      %gt3A_74 = arith.cmpi sgt, %scan3A_69, %gt3A : i32
      %convert_element_type3A = arith.extui %gt3A_74 : i1 to i32
      %cond3A = arith.constant 0 : i32
      %cond3A_75 = arith.cmpi ne, %convert_element_type3A, %cond3A : i32
      scf.if %cond3A_75 {
        %dma_wait3A_278 = arith.constant 0 : i32
        %dma_wait3A_279 = arith.constant 0 : i32
        %dma_wait3A_280 = arith.constant 0 : i32
        %dma_wait3A_281 = tpu.memref_slice %arg6[%dma_wait3A_278, %dma_wait3A_279, %dma_wait3A_280] : memref<4x128x64xf32, #tpu.memory_space<vmem>> -> memref<1x128x64xf32, #tpu.memory_space<vmem>>
        %dma_wait3A_282 = tpu.memref_squeeze %dma_wait3A_281 : memref<1x128x64xf32, #tpu.memory_space<vmem>> -> memref<128x64xf32, #tpu.memory_space<vmem>>
        %dma_wait3A_283 = arith.constant 0 : i32
        %dma_wait3A_284 = arith.constant 0 : i32
        %dma_wait3A_285 = tpu.memref_slice %arg4[%mul3A_2, %dma_wait3A_283, %dma_wait3A_284] : memref<4096x128x64xf32, #tpu.memory_space<hbm>> -> memref<1x128x64xf32, #tpu.memory_space<hbm>>
        %dma_wait3A_286 = tpu.memref_squeeze %dma_wait3A_285 : memref<1x128x64xf32, #tpu.memory_space<hbm>> -> memref<128x64xf32, #tpu.memory_space<hbm>>
        %dma_wait3A_287 = arith.constant 0 : i32
        %dma_wait3A_288 = arith.constant 0 : i32
        %dma_wait3A_289 = tpu.memref_slice %arg4[%mul3A_2, %dma_wait3A_287, %dma_wait3A_288] : memref<4096x128x64xf32, #tpu.memory_space<hbm>> -> memref<1x128x64xf32, #tpu.memory_space<hbm>>
        %dma_wait3A_290 = tpu.memref_squeeze %dma_wait3A_289 : memref<1x128x64xf32, #tpu.memory_space<hbm>> -> memref<128x64xf32, #tpu.memory_space<hbm>>
        %dma_wait3A_291 = arith.constant 0 : i32
        %dma_wait3A_292 = arith.constant 0 : i32
        %dma_wait3A_293 = tpu.memref_slice %arg6[%dma_wait3A_278, %dma_wait3A_291, %dma_wait3A_292] : memref<4x128x64xf32, #tpu.memory_space<vmem>> -> memref<1x128x64xf32, #tpu.memory_space<vmem>>
        %dma_wait3A_294 = tpu.memref_squeeze %dma_wait3A_293 : memref<1x128x64xf32, #tpu.memory_space<vmem>> -> memref<128x64xf32, #tpu.memory_space<vmem>>
        tpu.wait_dma2 semaphore(%arg8 : memref<!tpu.dma_semaphore, #tpu.memory_space<semaphore_mem>>) src(%dma_wait3A_294 : memref<128x64xf32, #tpu.memory_space<vmem>>) dst(%dma_wait3A_290 : memref<128x64xf32, #tpu.memory_space<hbm>>)
      } else {
      }
      %add3A_76 = arith.constant 1 : i32
      %add3A_77 = arith.addi %add3A_73, %add3A_76 : i32
      %dma_start3A_78 = arith.constant 1 : i32
      %dma_start3A_79 = arith.constant 0 : i32
      %dma_start3A_80 = arith.constant 0 : i32
      %dma_start3A_81 = tpu.memref_slice %arg6[%dma_start3A_78, %dma_start3A_79, %dma_start3A_80] : memref<4x128x64xf32, #tpu.memory_space<vmem>> -> memref<1x128x64xf32, #tpu.memory_space<vmem>>
      %dma_start3A_82 = tpu.memref_squeeze %dma_start3A_81 : memref<1x128x64xf32, #tpu.memory_space<vmem>> -> memref<128x64xf32, #tpu.memory_space<vmem>>
      %dma_start3A_83 = arith.constant 0 : i32
      %dma_start3A_84 = tpu.memref_slice %arg5[%add3A_77, %dma_start3A_83] : memref<128x128xi32, #tpu.memory_space<vmem>> -> memref<1x128xi32, #tpu.memory_space<vmem>>
      %dma_start3A_85 = tpu.memref_squeeze %dma_start3A_84 : memref<1x128xi32, #tpu.memory_space<vmem>> -> memref<128xi32, #tpu.memory_space<vmem>>
      %dma_start3A_86 = arith.constant 0 : i32
      %dma_start3A_87 = arith.constant 0 : i32
      %dma_start3A_88 = tpu.memref_slice %arg2[%dma_start3A_86, %dma_start3A_87] : memref<1000000x64xf32, #tpu.memory_space<hbm>> -> memref<1000000x64xf32, #tpu.memory_space<hbm>>
      tpu.enqueue_indirect_dma source(%dma_start3A_88 : memref<1000000x64xf32, #tpu.memory_space<hbm>>) target(%dma_start3A_82 : memref<128x64xf32, #tpu.memory_space<vmem>>) offsets(%dma_start3A_85 : memref<128xi32, #tpu.memory_space<vmem>>) semaphore(%arg7 : memref<!tpu.dma_semaphore, #tpu.memory_space<semaphore_mem>>)
      %dma_wait3A_89 = arith.constant 0 : i32
      %dma_wait3A_90 = arith.constant 0 : i32
      %dma_wait3A_91 = arith.constant 0 : i32
      %dma_wait3A_92 = arith.constant 0 : i32
      %dma_wait3A_93 = tpu.memref_slice %arg6[%dma_wait3A_90, %dma_wait3A_91, %dma_wait3A_92] : memref<4x128x64xf32, #tpu.memory_space<vmem>> -> memref<1x128x64xf32, #tpu.memory_space<vmem>>
      %dma_wait3A_94 = tpu.memref_squeeze %dma_wait3A_93 : memref<1x128x64xf32, #tpu.memory_space<vmem>> -> memref<128x64xf32, #tpu.memory_space<vmem>>
      %dma_wait3A_95 = arith.constant 0 : i32
      %dma_wait3A_96 = tpu.memref_slice %arg5[%dma_wait3A_89, %dma_wait3A_95] : memref<128x128xi32, #tpu.memory_space<vmem>> -> memref<1x128xi32, #tpu.memory_space<vmem>>
      %dma_wait3A_97 = tpu.memref_squeeze %dma_wait3A_96 : memref<1x128xi32, #tpu.memory_space<vmem>> -> memref<128xi32, #tpu.memory_space<vmem>>
      %dma_wait3A_98 = arith.constant 0 : i32
      %dma_wait3A_99 = arith.constant 0 : i32
      %dma_wait3A_100 = tpu.memref_slice %arg2[%dma_wait3A_98, %dma_wait3A_99] : memref<1000000x64xf32, #tpu.memory_space<hbm>> -> memref<1000000x64xf32, #tpu.memory_space<hbm>>
      tpu.wait_indirect_dma semaphore(%arg7 : memref<!tpu.dma_semaphore, #tpu.memory_space<semaphore_mem>>) src(%dma_wait3A_100 : memref<1000000x64xf32, #tpu.memory_space<hbm>>) dst(%dma_wait3A_94 : memref<128x64xf32, #tpu.memory_space<vmem>>)
      %add3A_101 = arith.addi %mul3A_2, %add3A_73 : i32
      %dma_start3A_102 = arith.constant 0 : i32
      %dma_start3A_103 = arith.constant 0 : i32
      %dma_start3A_104 = arith.constant 0 : i32
      %dma_start3A_105 = tpu.memref_slice %arg6[%dma_start3A_102, %dma_start3A_103, %dma_start3A_104] : memref<4x128x64xf32, #tpu.memory_space<vmem>> -> memref<1x128x64xf32, #tpu.memory_space<vmem>>
      %dma_start3A_106 = tpu.memref_squeeze %dma_start3A_105 : memref<1x128x64xf32, #tpu.memory_space<vmem>> -> memref<128x64xf32, #tpu.memory_space<vmem>>
      %dma_start3A_107 = arith.constant 0 : i32
      %dma_start3A_108 = arith.constant 0 : i32
      %dma_start3A_109 = tpu.memref_slice %arg4[%add3A_101, %dma_start3A_107, %dma_start3A_108] : memref<4096x128x64xf32, #tpu.memory_space<hbm>> -> memref<1x128x64xf32, #tpu.memory_space<hbm>>
      %dma_start3A_110 = tpu.memref_squeeze %dma_start3A_109 : memref<1x128x64xf32, #tpu.memory_space<hbm>> -> memref<128x64xf32, #tpu.memory_space<hbm>>
      %dma_start3A_111 = arith.constant 0 : i32
      %dma_start3A_112 = arith.constant 0 : i32
      %dma_start3A_113 = tpu.memref_slice %arg4[%add3A_101, %dma_start3A_111, %dma_start3A_112] : memref<4096x128x64xf32, #tpu.memory_space<hbm>> -> memref<1x128x64xf32, #tpu.memory_space<hbm>>
      %dma_start3A_114 = tpu.memref_squeeze %dma_start3A_113 : memref<1x128x64xf32, #tpu.memory_space<hbm>> -> memref<128x64xf32, #tpu.memory_space<hbm>>
      %dma_start3A_115 = arith.constant 0 : i32
      %dma_start3A_116 = arith.constant 0 : i32
      %dma_start3A_117 = tpu.memref_slice %arg6[%dma_start3A_102, %dma_start3A_115, %dma_start3A_116] : memref<4x128x64xf32, #tpu.memory_space<vmem>> -> memref<1x128x64xf32, #tpu.memory_space<vmem>>
      %dma_start3A_118 = tpu.memref_squeeze %dma_start3A_117 : memref<1x128x64xf32, #tpu.memory_space<vmem>> -> memref<128x64xf32, #tpu.memory_space<vmem>>
      tpu.enqueue_dma source(%dma_start3A_118 : memref<128x64xf32, #tpu.memory_space<vmem>>) target(%dma_start3A_114 : memref<128x64xf32, #tpu.memory_space<hbm>>) target_semaphore(%arg8 : memref<!tpu.dma_semaphore, #tpu.memory_space<semaphore_mem>>)
      %mul3A_119 = arith.constant 4 : i32
      %mul3A_120 = arith.muli %scan3A_69, %mul3A_119 : i32
      %add3A_121 = arith.constant 1 : i32
      %add3A_122 = arith.addi %mul3A_120, %add3A_121 : i32
      %gt3A_123 = arith.constant 0 : i32
      %gt3A_124 = arith.cmpi sgt, %scan3A_69, %gt3A_123 : i32
      %convert_element_type3A_125 = arith.extui %gt3A_124 : i1 to i32
      %cond3A_126 = arith.constant 0 : i32
      %cond3A_127 = arith.cmpi ne, %convert_element_type3A_125, %cond3A_126 : i32
      scf.if %cond3A_127 {
        %dma_wait3A_278 = arith.constant 0 : i32
        %dma_wait3A_279 = arith.constant 0 : i32
        %dma_wait3A_280 = arith.constant 0 : i32
        %dma_wait3A_281 = tpu.memref_slice %arg6[%dma_wait3A_278, %dma_wait3A_279, %dma_wait3A_280] : memref<4x128x64xf32, #tpu.memory_space<vmem>> -> memref<1x128x64xf32, #tpu.memory_space<vmem>>
        %dma_wait3A_282 = tpu.memref_squeeze %dma_wait3A_281 : memref<1x128x64xf32, #tpu.memory_space<vmem>> -> memref<128x64xf32, #tpu.memory_space<vmem>>
        %dma_wait3A_283 = arith.constant 0 : i32
        %dma_wait3A_284 = arith.constant 0 : i32
        %dma_wait3A_285 = tpu.memref_slice %arg4[%mul3A_2, %dma_wait3A_283, %dma_wait3A_284] : memref<4096x128x64xf32, #tpu.memory_space<hbm>> -> memref<1x128x64xf32, #tpu.memory_space<hbm>>
        %dma_wait3A_286 = tpu.memref_squeeze %dma_wait3A_285 : memref<1x128x64xf32, #tpu.memory_space<hbm>> -> memref<128x64xf32, #tpu.memory_space<hbm>>
        %dma_wait3A_287 = arith.constant 0 : i32
        %dma_wait3A_288 = arith.constant 0 : i32
        %dma_wait3A_289 = tpu.memref_slice %arg4[%mul3A_2, %dma_wait3A_287, %dma_wait3A_288] : memref<4096x128x64xf32, #tpu.memory_space<hbm>> -> memref<1x128x64xf32, #tpu.memory_space<hbm>>
        %dma_wait3A_290 = tpu.memref_squeeze %dma_wait3A_289 : memref<1x128x64xf32, #tpu.memory_space<hbm>> -> memref<128x64xf32, #tpu.memory_space<hbm>>
        %dma_wait3A_291 = arith.constant 0 : i32
        %dma_wait3A_292 = arith.constant 0 : i32
        %dma_wait3A_293 = tpu.memref_slice %arg6[%dma_wait3A_278, %dma_wait3A_291, %dma_wait3A_292] : memref<4x128x64xf32, #tpu.memory_space<vmem>> -> memref<1x128x64xf32, #tpu.memory_space<vmem>>
        %dma_wait3A_294 = tpu.memref_squeeze %dma_wait3A_293 : memref<1x128x64xf32, #tpu.memory_space<vmem>> -> memref<128x64xf32, #tpu.memory_space<vmem>>
        tpu.wait_dma2 semaphore(%arg8 : memref<!tpu.dma_semaphore, #tpu.memory_space<semaphore_mem>>) src(%dma_wait3A_294 : memref<128x64xf32, #tpu.memory_space<vmem>>) dst(%dma_wait3A_290 : memref<128x64xf32, #tpu.memory_space<hbm>>)
      } else {
      }
      %add3A_128 = arith.constant 1 : i32
      %add3A_129 = arith.addi %add3A_122, %add3A_128 : i32
      %dma_start3A_130 = arith.constant 2 : i32
      %dma_start3A_131 = arith.constant 0 : i32
      %dma_start3A_132 = arith.constant 0 : i32
      %dma_start3A_133 = tpu.memref_slice %arg6[%dma_start3A_130, %dma_start3A_131, %dma_start3A_132] : memref<4x128x64xf32, #tpu.memory_space<vmem>> -> memref<1x128x64xf32, #tpu.memory_space<vmem>>
      %dma_start3A_134 = tpu.memref_squeeze %dma_start3A_133 : memref<1x128x64xf32, #tpu.memory_space<vmem>> -> memref<128x64xf32, #tpu.memory_space<vmem>>
      %dma_start3A_135 = arith.constant 0 : i32
      %dma_start3A_136 = tpu.memref_slice %arg5[%add3A_129, %dma_start3A_135] : memref<128x128xi32, #tpu.memory_space<vmem>> -> memref<1x128xi32, #tpu.memory_space<vmem>>
      %dma_start3A_137 = tpu.memref_squeeze %dma_start3A_136 : memref<1x128xi32, #tpu.memory_space<vmem>> -> memref<128xi32, #tpu.memory_space<vmem>>
      %dma_start3A_138 = arith.constant 0 : i32
      %dma_start3A_139 = arith.constant 0 : i32
      %dma_start3A_140 = tpu.memref_slice %arg2[%dma_start3A_138, %dma_start3A_139] : memref<1000000x64xf32, #tpu.memory_space<hbm>> -> memref<1000000x64xf32, #tpu.memory_space<hbm>>
      tpu.enqueue_indirect_dma source(%dma_start3A_140 : memref<1000000x64xf32, #tpu.memory_space<hbm>>) target(%dma_start3A_134 : memref<128x64xf32, #tpu.memory_space<vmem>>) offsets(%dma_start3A_137 : memref<128xi32, #tpu.memory_space<vmem>>) semaphore(%arg7 : memref<!tpu.dma_semaphore, #tpu.memory_space<semaphore_mem>>)
      %dma_wait3A_141 = arith.constant 0 : i32
      %dma_wait3A_142 = arith.constant 1 : i32
      %dma_wait3A_143 = arith.constant 0 : i32
      %dma_wait3A_144 = arith.constant 0 : i32
      %dma_wait3A_145 = tpu.memref_slice %arg6[%dma_wait3A_142, %dma_wait3A_143, %dma_wait3A_144] : memref<4x128x64xf32, #tpu.memory_space<vmem>> -> memref<1x128x64xf32, #tpu.memory_space<vmem>>
      %dma_wait3A_146 = tpu.memref_squeeze %dma_wait3A_145 : memref<1x128x64xf32, #tpu.memory_space<vmem>> -> memref<128x64xf32, #tpu.memory_space<vmem>>
      %dma_wait3A_147 = arith.constant 0 : i32
      %dma_wait3A_148 = tpu.memref_slice %arg5[%dma_wait3A_141, %dma_wait3A_147] : memref<128x128xi32, #tpu.memory_space<vmem>> -> memref<1x128xi32, #tpu.memory_space<vmem>>
      %dma_wait3A_149 = tpu.memref_squeeze %dma_wait3A_148 : memref<1x128xi32, #tpu.memory_space<vmem>> -> memref<128xi32, #tpu.memory_space<vmem>>
      %dma_wait3A_150 = arith.constant 0 : i32
      %dma_wait3A_151 = arith.constant 0 : i32
      %dma_wait3A_152 = tpu.memref_slice %arg2[%dma_wait3A_150, %dma_wait3A_151] : memref<1000000x64xf32, #tpu.memory_space<hbm>> -> memref<1000000x64xf32, #tpu.memory_space<hbm>>
      tpu.wait_indirect_dma semaphore(%arg7 : memref<!tpu.dma_semaphore, #tpu.memory_space<semaphore_mem>>) src(%dma_wait3A_152 : memref<1000000x64xf32, #tpu.memory_space<hbm>>) dst(%dma_wait3A_146 : memref<128x64xf32, #tpu.memory_space<vmem>>)
      %add3A_153 = arith.addi %mul3A_2, %add3A_122 : i32
      %dma_start3A_154 = arith.constant 1 : i32
      %dma_start3A_155 = arith.constant 0 : i32
      %dma_start3A_156 = arith.constant 0 : i32
      %dma_start3A_157 = tpu.memref_slice %arg6[%dma_start3A_154, %dma_start3A_155, %dma_start3A_156] : memref<4x128x64xf32, #tpu.memory_space<vmem>> -> memref<1x128x64xf32, #tpu.memory_space<vmem>>
      %dma_start3A_158 = tpu.memref_squeeze %dma_start3A_157 : memref<1x128x64xf32, #tpu.memory_space<vmem>> -> memref<128x64xf32, #tpu.memory_space<vmem>>
      %dma_start3A_159 = arith.constant 0 : i32
      %dma_start3A_160 = arith.constant 0 : i32
      %dma_start3A_161 = tpu.memref_slice %arg4[%add3A_153, %dma_start3A_159, %dma_start3A_160] : memref<4096x128x64xf32, #tpu.memory_space<hbm>> -> memref<1x128x64xf32, #tpu.memory_space<hbm>>
      %dma_start3A_162 = tpu.memref_squeeze %dma_start3A_161 : memref<1x128x64xf32, #tpu.memory_space<hbm>> -> memref<128x64xf32, #tpu.memory_space<hbm>>
      %dma_start3A_163 = arith.constant 0 : i32
      %dma_start3A_164 = arith.constant 0 : i32
      %dma_start3A_165 = tpu.memref_slice %arg4[%add3A_153, %dma_start3A_163, %dma_start3A_164] : memref<4096x128x64xf32, #tpu.memory_space<hbm>> -> memref<1x128x64xf32, #tpu.memory_space<hbm>>
      %dma_start3A_166 = tpu.memref_squeeze %dma_start3A_165 : memref<1x128x64xf32, #tpu.memory_space<hbm>> -> memref<128x64xf32, #tpu.memory_space<hbm>>
      %dma_start3A_167 = arith.constant 0 : i32
      %dma_start3A_168 = arith.constant 0 : i32
      %dma_start3A_169 = tpu.memref_slice %arg6[%dma_start3A_154, %dma_start3A_167, %dma_start3A_168] : memref<4x128x64xf32, #tpu.memory_space<vmem>> -> memref<1x128x64xf32, #tpu.memory_space<vmem>>
      %dma_start3A_170 = tpu.memref_squeeze %dma_start3A_169 : memref<1x128x64xf32, #tpu.memory_space<vmem>> -> memref<128x64xf32, #tpu.memory_space<vmem>>
      tpu.enqueue_dma source(%dma_start3A_170 : memref<128x64xf32, #tpu.memory_space<vmem>>) target(%dma_start3A_166 : memref<128x64xf32, #tpu.memory_space<hbm>>) target_semaphore(%arg8 : memref<!tpu.dma_semaphore, #tpu.memory_space<semaphore_mem>>)
      %mul3A_171 = arith.constant 4 : i32
      %mul3A_172 = arith.muli %scan3A_69, %mul3A_171 : i32
      %add3A_173 = arith.constant 2 : i32
      %add3A_174 = arith.addi %mul3A_172, %add3A_173 : i32
      %gt3A_175 = arith.constant 0 : i32
      %gt3A_176 = arith.cmpi sgt, %scan3A_69, %gt3A_175 : i32
      %convert_element_type3A_177 = arith.extui %gt3A_176 : i1 to i32
      %cond3A_178 = arith.constant 0 : i32
      %cond3A_179 = arith.cmpi ne, %convert_element_type3A_177, %cond3A_178 : i32
      scf.if %cond3A_179 {
        %dma_wait3A_278 = arith.constant 0 : i32
        %dma_wait3A_279 = arith.constant 0 : i32
        %dma_wait3A_280 = arith.constant 0 : i32
        %dma_wait3A_281 = tpu.memref_slice %arg6[%dma_wait3A_278, %dma_wait3A_279, %dma_wait3A_280] : memref<4x128x64xf32, #tpu.memory_space<vmem>> -> memref<1x128x64xf32, #tpu.memory_space<vmem>>
        %dma_wait3A_282 = tpu.memref_squeeze %dma_wait3A_281 : memref<1x128x64xf32, #tpu.memory_space<vmem>> -> memref<128x64xf32, #tpu.memory_space<vmem>>
        %dma_wait3A_283 = arith.constant 0 : i32
        %dma_wait3A_284 = arith.constant 0 : i32
        %dma_wait3A_285 = tpu.memref_slice %arg4[%mul3A_2, %dma_wait3A_283, %dma_wait3A_284] : memref<4096x128x64xf32, #tpu.memory_space<hbm>> -> memref<1x128x64xf32, #tpu.memory_space<hbm>>
        %dma_wait3A_286 = tpu.memref_squeeze %dma_wait3A_285 : memref<1x128x64xf32, #tpu.memory_space<hbm>> -> memref<128x64xf32, #tpu.memory_space<hbm>>
        %dma_wait3A_287 = arith.constant 0 : i32
        %dma_wait3A_288 = arith.constant 0 : i32
        %dma_wait3A_289 = tpu.memref_slice %arg4[%mul3A_2, %dma_wait3A_287, %dma_wait3A_288] : memref<4096x128x64xf32, #tpu.memory_space<hbm>> -> memref<1x128x64xf32, #tpu.memory_space<hbm>>
        %dma_wait3A_290 = tpu.memref_squeeze %dma_wait3A_289 : memref<1x128x64xf32, #tpu.memory_space<hbm>> -> memref<128x64xf32, #tpu.memory_space<hbm>>
        %dma_wait3A_291 = arith.constant 0 : i32
        %dma_wait3A_292 = arith.constant 0 : i32
        %dma_wait3A_293 = tpu.memref_slice %arg6[%dma_wait3A_278, %dma_wait3A_291, %dma_wait3A_292] : memref<4x128x64xf32, #tpu.memory_space<vmem>> -> memref<1x128x64xf32, #tpu.memory_space<vmem>>
        %dma_wait3A_294 = tpu.memref_squeeze %dma_wait3A_293 : memref<1x128x64xf32, #tpu.memory_space<vmem>> -> memref<128x64xf32, #tpu.memory_space<vmem>>
        tpu.wait_dma2 semaphore(%arg8 : memref<!tpu.dma_semaphore, #tpu.memory_space<semaphore_mem>>) src(%dma_wait3A_294 : memref<128x64xf32, #tpu.memory_space<vmem>>) dst(%dma_wait3A_290 : memref<128x64xf32, #tpu.memory_space<hbm>>)
      } else {
      }
      %add3A_180 = arith.constant 1 : i32
      %add3A_181 = arith.addi %add3A_174, %add3A_180 : i32
      %dma_start3A_182 = arith.constant 3 : i32
      %dma_start3A_183 = arith.constant 0 : i32
      %dma_start3A_184 = arith.constant 0 : i32
      %dma_start3A_185 = tpu.memref_slice %arg6[%dma_start3A_182, %dma_start3A_183, %dma_start3A_184] : memref<4x128x64xf32, #tpu.memory_space<vmem>> -> memref<1x128x64xf32, #tpu.memory_space<vmem>>
      %dma_start3A_186 = tpu.memref_squeeze %dma_start3A_185 : memref<1x128x64xf32, #tpu.memory_space<vmem>> -> memref<128x64xf32, #tpu.memory_space<vmem>>
      %dma_start3A_187 = arith.constant 0 : i32
      %dma_start3A_188 = tpu.memref_slice %arg5[%add3A_181, %dma_start3A_187] : memref<128x128xi32, #tpu.memory_space<vmem>> -> memref<1x128xi32, #tpu.memory_space<vmem>>
      %dma_start3A_189 = tpu.memref_squeeze %dma_start3A_188 : memref<1x128xi32, #tpu.memory_space<vmem>> -> memref<128xi32, #tpu.memory_space<vmem>>
      %dma_start3A_190 = arith.constant 0 : i32
      %dma_start3A_191 = arith.constant 0 : i32
      %dma_start3A_192 = tpu.memref_slice %arg2[%dma_start3A_190, %dma_start3A_191] : memref<1000000x64xf32, #tpu.memory_space<hbm>> -> memref<1000000x64xf32, #tpu.memory_space<hbm>>
      tpu.enqueue_indirect_dma source(%dma_start3A_192 : memref<1000000x64xf32, #tpu.memory_space<hbm>>) target(%dma_start3A_186 : memref<128x64xf32, #tpu.memory_space<vmem>>) offsets(%dma_start3A_189 : memref<128xi32, #tpu.memory_space<vmem>>) semaphore(%arg7 : memref<!tpu.dma_semaphore, #tpu.memory_space<semaphore_mem>>)
      %dma_wait3A_193 = arith.constant 0 : i32
      %dma_wait3A_194 = arith.constant 2 : i32
      %dma_wait3A_195 = arith.constant 0 : i32
      %dma_wait3A_196 = arith.constant 0 : i32
      %dma_wait3A_197 = tpu.memref_slice %arg6[%dma_wait3A_194, %dma_wait3A_195, %dma_wait3A_196] : memref<4x128x64xf32, #tpu.memory_space<vmem>> -> memref<1x128x64xf32, #tpu.memory_space<vmem>>
      %dma_wait3A_198 = tpu.memref_squeeze %dma_wait3A_197 : memref<1x128x64xf32, #tpu.memory_space<vmem>> -> memref<128x64xf32, #tpu.memory_space<vmem>>
      %dma_wait3A_199 = arith.constant 0 : i32
      %dma_wait3A_200 = tpu.memref_slice %arg5[%dma_wait3A_193, %dma_wait3A_199] : memref<128x128xi32, #tpu.memory_space<vmem>> -> memref<1x128xi32, #tpu.memory_space<vmem>>
      %dma_wait3A_201 = tpu.memref_squeeze %dma_wait3A_200 : memref<1x128xi32, #tpu.memory_space<vmem>> -> memref<128xi32, #tpu.memory_space<vmem>>
      %dma_wait3A_202 = arith.constant 0 : i32
      %dma_wait3A_203 = arith.constant 0 : i32
      %dma_wait3A_204 = tpu.memref_slice %arg2[%dma_wait3A_202, %dma_wait3A_203] : memref<1000000x64xf32, #tpu.memory_space<hbm>> -> memref<1000000x64xf32, #tpu.memory_space<hbm>>
      tpu.wait_indirect_dma semaphore(%arg7 : memref<!tpu.dma_semaphore, #tpu.memory_space<semaphore_mem>>) src(%dma_wait3A_204 : memref<1000000x64xf32, #tpu.memory_space<hbm>>) dst(%dma_wait3A_198 : memref<128x64xf32, #tpu.memory_space<vmem>>)
      %add3A_205 = arith.addi %mul3A_2, %add3A_174 : i32
      %dma_start3A_206 = arith.constant 2 : i32
      %dma_start3A_207 = arith.constant 0 : i32
      %dma_start3A_208 = arith.constant 0 : i32
      %dma_start3A_209 = tpu.memref_slice %arg6[%dma_start3A_206, %dma_start3A_207, %dma_start3A_208] : memref<4x128x64xf32, #tpu.memory_space<vmem>> -> memref<1x128x64xf32, #tpu.memory_space<vmem>>
      %dma_start3A_210 = tpu.memref_squeeze %dma_start3A_209 : memref<1x128x64xf32, #tpu.memory_space<vmem>> -> memref<128x64xf32, #tpu.memory_space<vmem>>
      %dma_start3A_211 = arith.constant 0 : i32
      %dma_start3A_212 = arith.constant 0 : i32
      %dma_start3A_213 = tpu.memref_slice %arg4[%add3A_205, %dma_start3A_211, %dma_start3A_212] : memref<4096x128x64xf32, #tpu.memory_space<hbm>> -> memref<1x128x64xf32, #tpu.memory_space<hbm>>
      %dma_start3A_214 = tpu.memref_squeeze %dma_start3A_213 : memref<1x128x64xf32, #tpu.memory_space<hbm>> -> memref<128x64xf32, #tpu.memory_space<hbm>>
      %dma_start3A_215 = arith.constant 0 : i32
      %dma_start3A_216 = arith.constant 0 : i32
      %dma_start3A_217 = tpu.memref_slice %arg4[%add3A_205, %dma_start3A_215, %dma_start3A_216] : memref<4096x128x64xf32, #tpu.memory_space<hbm>> -> memref<1x128x64xf32, #tpu.memory_space<hbm>>
      %dma_start3A_218 = tpu.memref_squeeze %dma_start3A_217 : memref<1x128x64xf32, #tpu.memory_space<hbm>> -> memref<128x64xf32, #tpu.memory_space<hbm>>
      %dma_start3A_219 = arith.constant 0 : i32
      %dma_start3A_220 = arith.constant 0 : i32
      %dma_start3A_221 = tpu.memref_slice %arg6[%dma_start3A_206, %dma_start3A_219, %dma_start3A_220] : memref<4x128x64xf32, #tpu.memory_space<vmem>> -> memref<1x128x64xf32, #tpu.memory_space<vmem>>
      %dma_start3A_222 = tpu.memref_squeeze %dma_start3A_221 : memref<1x128x64xf32, #tpu.memory_space<vmem>> -> memref<128x64xf32, #tpu.memory_space<vmem>>
      tpu.enqueue_dma source(%dma_start3A_222 : memref<128x64xf32, #tpu.memory_space<vmem>>) target(%dma_start3A_218 : memref<128x64xf32, #tpu.memory_space<hbm>>) target_semaphore(%arg8 : memref<!tpu.dma_semaphore, #tpu.memory_space<semaphore_mem>>)
      %mul3A_223 = arith.constant 4 : i32
      %mul3A_224 = arith.muli %scan3A_69, %mul3A_223 : i32
      %add3A_225 = arith.constant 3 : i32
      %add3A_226 = arith.addi %mul3A_224, %add3A_225 : i32
      %dma_wait3A_227 = arith.constant 0 : i32
      %dma_wait3A_228 = arith.constant 0 : i32
      %dma_wait3A_229 = arith.constant 0 : i32
      %dma_wait3A_230 = tpu.memref_slice %arg6[%dma_wait3A_227, %dma_wait3A_228, %dma_wait3A_229] : memref<4x128x64xf32, #tpu.memory_space<vmem>> -> memref<1x128x64xf32, #tpu.memory_space<vmem>>
      %dma_wait3A_231 = tpu.memref_squeeze %dma_wait3A_230 : memref<1x128x64xf32, #tpu.memory_space<vmem>> -> memref<128x64xf32, #tpu.memory_space<vmem>>
      %dma_wait3A_232 = arith.constant 0 : i32
      %dma_wait3A_233 = arith.constant 0 : i32
      %dma_wait3A_234 = tpu.memref_slice %arg4[%mul3A_2, %dma_wait3A_232, %dma_wait3A_233] : memref<4096x128x64xf32, #tpu.memory_space<hbm>> -> memref<1x128x64xf32, #tpu.memory_space<hbm>>
      %dma_wait3A_235 = tpu.memref_squeeze %dma_wait3A_234 : memref<1x128x64xf32, #tpu.memory_space<hbm>> -> memref<128x64xf32, #tpu.memory_space<hbm>>
      %dma_wait3A_236 = arith.constant 0 : i32
      %dma_wait3A_237 = arith.constant 0 : i32
      %dma_wait3A_238 = tpu.memref_slice %arg4[%mul3A_2, %dma_wait3A_236, %dma_wait3A_237] : memref<4096x128x64xf32, #tpu.memory_space<hbm>> -> memref<1x128x64xf32, #tpu.memory_space<hbm>>
      %dma_wait3A_239 = tpu.memref_squeeze %dma_wait3A_238 : memref<1x128x64xf32, #tpu.memory_space<hbm>> -> memref<128x64xf32, #tpu.memory_space<hbm>>
      %dma_wait3A_240 = arith.constant 0 : i32
      %dma_wait3A_241 = arith.constant 0 : i32
      %dma_wait3A_242 = tpu.memref_slice %arg6[%dma_wait3A_227, %dma_wait3A_240, %dma_wait3A_241] : memref<4x128x64xf32, #tpu.memory_space<vmem>> -> memref<1x128x64xf32, #tpu.memory_space<vmem>>
      %dma_wait3A_243 = tpu.memref_squeeze %dma_wait3A_242 : memref<1x128x64xf32, #tpu.memory_space<vmem>> -> memref<128x64xf32, #tpu.memory_space<vmem>>
      tpu.wait_dma2 semaphore(%arg8 : memref<!tpu.dma_semaphore, #tpu.memory_space<semaphore_mem>>) src(%dma_wait3A_243 : memref<128x64xf32, #tpu.memory_space<vmem>>) dst(%dma_wait3A_239 : memref<128x64xf32, #tpu.memory_space<hbm>>)
      %lt3A = arith.constant 31 : i32
      %lt3A_244 = arith.cmpi slt, %scan3A_69, %lt3A : i32
      %convert_element_type3A_245 = arith.extui %lt3A_244 : i1 to i32
      %cond3A_246 = arith.constant 0 : i32
      %cond3A_247 = arith.cmpi ne, %convert_element_type3A_245, %cond3A_246 : i32
      scf.if %cond3A_247 {
        %add3A_278 = arith.constant 1 : i32
        %add3A_279 = arith.addi %add3A_226, %add3A_278 : i32
        %dma_start3A_280 = arith.constant 0 : i32
        %dma_start3A_281 = arith.constant 0 : i32
        %dma_start3A_282 = arith.constant 0 : i32
        %dma_start3A_283 = tpu.memref_slice %arg6[%dma_start3A_280, %dma_start3A_281, %dma_start3A_282] : memref<4x128x64xf32, #tpu.memory_space<vmem>> -> memref<1x128x64xf32, #tpu.memory_space<vmem>>
        %dma_start3A_284 = tpu.memref_squeeze %dma_start3A_283 : memref<1x128x64xf32, #tpu.memory_space<vmem>> -> memref<128x64xf32, #tpu.memory_space<vmem>>
        %dma_start3A_285 = arith.constant 0 : i32
        %dma_start3A_286 = tpu.memref_slice %arg5[%add3A_279, %dma_start3A_285] : memref<128x128xi32, #tpu.memory_space<vmem>> -> memref<1x128xi32, #tpu.memory_space<vmem>>
        %dma_start3A_287 = tpu.memref_squeeze %dma_start3A_286 : memref<1x128xi32, #tpu.memory_space<vmem>> -> memref<128xi32, #tpu.memory_space<vmem>>
        %dma_start3A_288 = arith.constant 0 : i32
        %dma_start3A_289 = arith.constant 0 : i32
        %dma_start3A_290 = tpu.memref_slice %arg2[%dma_start3A_288, %dma_start3A_289] : memref<1000000x64xf32, #tpu.memory_space<hbm>> -> memref<1000000x64xf32, #tpu.memory_space<hbm>>
        tpu.enqueue_indirect_dma source(%dma_start3A_290 : memref<1000000x64xf32, #tpu.memory_space<hbm>>) target(%dma_start3A_284 : memref<128x64xf32, #tpu.memory_space<vmem>>) offsets(%dma_start3A_287 : memref<128xi32, #tpu.memory_space<vmem>>) semaphore(%arg7 : memref<!tpu.dma_semaphore, #tpu.memory_space<semaphore_mem>>)
      } else {
      }
      %dma_wait3A_248 = arith.constant 0 : i32
      %dma_wait3A_249 = arith.constant 3 : i32
      %dma_wait3A_250 = arith.constant 0 : i32
      %dma_wait3A_251 = arith.constant 0 : i32
      %dma_wait3A_252 = tpu.memref_slice %arg6[%dma_wait3A_249, %dma_wait3A_250, %dma_wait3A_251] : memref<4x128x64xf32, #tpu.memory_space<vmem>> -> memref<1x128x64xf32, #tpu.memory_space<vmem>>
      %dma_wait3A_253 = tpu.memref_squeeze %dma_wait3A_252 : memref<1x128x64xf32, #tpu.memory_space<vmem>> -> memref<128x64xf32, #tpu.memory_space<vmem>>
      %dma_wait3A_254 = arith.constant 0 : i32
      %dma_wait3A_255 = tpu.memref_slice %arg5[%dma_wait3A_248, %dma_wait3A_254] : memref<128x128xi32, #tpu.memory_space<vmem>> -> memref<1x128xi32, #tpu.memory_space<vmem>>
      %dma_wait3A_256 = tpu.memref_squeeze %dma_wait3A_255 : memref<1x128xi32, #tpu.memory_space<vmem>> -> memref<128xi32, #tpu.memory_space<vmem>>
      %dma_wait3A_257 = arith.constant 0 : i32
      %dma_wait3A_258 = arith.constant 0 : i32
      %dma_wait3A_259 = tpu.memref_slice %arg2[%dma_wait3A_257, %dma_wait3A_258] : memref<1000000x64xf32, #tpu.memory_space<hbm>> -> memref<1000000x64xf32, #tpu.memory_space<hbm>>
      tpu.wait_indirect_dma semaphore(%arg7 : memref<!tpu.dma_semaphore, #tpu.memory_space<semaphore_mem>>) src(%dma_wait3A_259 : memref<1000000x64xf32, #tpu.memory_space<hbm>>) dst(%dma_wait3A_253 : memref<128x64xf32, #tpu.memory_space<vmem>>)
      %add3A_260 = arith.addi %mul3A_2, %add3A_226 : i32
      %dma_start3A_261 = arith.constant 3 : i32
      %dma_start3A_262 = arith.constant 0 : i32
      %dma_start3A_263 = arith.constant 0 : i32
      %dma_start3A_264 = tpu.memref_slice %arg6[%dma_start3A_261, %dma_start3A_262, %dma_start3A_263] : memref<4x128x64xf32, #tpu.memory_space<vmem>> -> memref<1x128x64xf32, #tpu.memory_space<vmem>>
      %dma_start3A_265 = tpu.memref_squeeze %dma_start3A_264 : memref<1x128x64xf32, #tpu.memory_space<vmem>> -> memref<128x64xf32, #tpu.memory_space<vmem>>
      %dma_start3A_266 = arith.constant 0 : i32
      %dma_start3A_267 = arith.constant 0 : i32
      %dma_start3A_268 = tpu.memref_slice %arg4[%add3A_260, %dma_start3A_266, %dma_start3A_267] : memref<4096x128x64xf32, #tpu.memory_space<hbm>> -> memref<1x128x64xf32, #tpu.memory_space<hbm>>
      %dma_start3A_269 = tpu.memref_squeeze %dma_start3A_268 : memref<1x128x64xf32, #tpu.memory_space<hbm>> -> memref<128x64xf32, #tpu.memory_space<hbm>>
      %dma_start3A_270 = arith.constant 0 : i32
      %dma_start3A_271 = arith.constant 0 : i32
      %dma_start3A_272 = tpu.memref_slice %arg4[%add3A_260, %dma_start3A_270, %dma_start3A_271] : memref<4096x128x64xf32, #tpu.memory_space<hbm>> -> memref<1x128x64xf32, #tpu.memory_space<hbm>>
      %dma_start3A_273 = tpu.memref_squeeze %dma_start3A_272 : memref<1x128x64xf32, #tpu.memory_space<hbm>> -> memref<128x64xf32, #tpu.memory_space<hbm>>
      %dma_start3A_274 = arith.constant 0 : i32
      %dma_start3A_275 = arith.constant 0 : i32
      %dma_start3A_276 = tpu.memref_slice %arg6[%dma_start3A_261, %dma_start3A_274, %dma_start3A_275] : memref<4x128x64xf32, #tpu.memory_space<vmem>> -> memref<1x128x64xf32, #tpu.memory_space<vmem>>
      %dma_start3A_277 = tpu.memref_squeeze %dma_start3A_276 : memref<1x128x64xf32, #tpu.memory_space<vmem>> -> memref<128x64xf32, #tpu.memory_space<vmem>>
      tpu.enqueue_dma source(%dma_start3A_277 : memref<128x64xf32, #tpu.memory_space<vmem>>) target(%dma_start3A_273 : memref<128x64xf32, #tpu.memory_space<hbm>>) target_semaphore(%arg8 : memref<!tpu.dma_semaphore, #tpu.memory_space<semaphore_mem>>)
    }
    %scan3A_18 = arith.constant 32 : i32
    %dma_wait3A = arith.constant 0 : i32
    %dma_wait3A_19 = arith.constant 0 : i32
    %dma_wait3A_20 = arith.constant 0 : i32
    %dma_wait3A_21 = tpu.memref_slice %arg6[%dma_wait3A, %dma_wait3A_19, %dma_wait3A_20] : memref<4x128x64xf32, #tpu.memory_space<vmem>> -> memref<1x128x64xf32, #tpu.memory_space<vmem>>
    %dma_wait3A_22 = tpu.memref_squeeze %dma_wait3A_21 : memref<1x128x64xf32, #tpu.memory_space<vmem>> -> memref<128x64xf32, #tpu.memory_space<vmem>>
    %dma_wait3A_23 = arith.constant 0 : i32
    %dma_wait3A_24 = arith.constant 0 : i32
    %dma_wait3A_25 = tpu.memref_slice %arg4[%mul3A_2, %dma_wait3A_23, %dma_wait3A_24] : memref<4096x128x64xf32, #tpu.memory_space<hbm>> -> memref<1x128x64xf32, #tpu.memory_space<hbm>>
    %dma_wait3A_26 = tpu.memref_squeeze %dma_wait3A_25 : memref<1x128x64xf32, #tpu.memory_space<hbm>> -> memref<128x64xf32, #tpu.memory_space<hbm>>
    %dma_wait3A_27 = arith.constant 0 : i32
    %dma_wait3A_28 = arith.constant 0 : i32
    %dma_wait3A_29 = tpu.memref_slice %arg4[%mul3A_2, %dma_wait3A_27, %dma_wait3A_28] : memref<4096x128x64xf32, #tpu.memory_space<hbm>> -> memref<1x128x64xf32, #tpu.memory_space<hbm>>
    %dma_wait3A_30 = tpu.memref_squeeze %dma_wait3A_29 : memref<1x128x64xf32, #tpu.memory_space<hbm>> -> memref<128x64xf32, #tpu.memory_space<hbm>>
    %dma_wait3A_31 = arith.constant 0 : i32
    %dma_wait3A_32 = arith.constant 0 : i32
    %dma_wait3A_33 = tpu.memref_slice %arg6[%dma_wait3A, %dma_wait3A_31, %dma_wait3A_32] : memref<4x128x64xf32, #tpu.memory_space<vmem>> -> memref<1x128x64xf32, #tpu.memory_space<vmem>>
    %dma_wait3A_34 = tpu.memref_squeeze %dma_wait3A_33 : memref<1x128x64xf32, #tpu.memory_space<vmem>> -> memref<128x64xf32, #tpu.memory_space<vmem>>
    tpu.wait_dma2 semaphore(%arg8 : memref<!tpu.dma_semaphore, #tpu.memory_space<semaphore_mem>>) src(%dma_wait3A_34 : memref<128x64xf32, #tpu.memory_space<vmem>>) dst(%dma_wait3A_30 : memref<128x64xf32, #tpu.memory_space<hbm>>)
    %dma_wait3A_35 = arith.constant 0 : i32
    %dma_wait3A_36 = arith.constant 0 : i32
    %dma_wait3A_37 = arith.constant 0 : i32
    %dma_wait3A_38 = tpu.memref_slice %arg6[%dma_wait3A_35, %dma_wait3A_36, %dma_wait3A_37] : memref<4x128x64xf32, #tpu.memory_space<vmem>> -> memref<1x128x64xf32, #tpu.memory_space<vmem>>
    %dma_wait3A_39 = tpu.memref_squeeze %dma_wait3A_38 : memref<1x128x64xf32, #tpu.memory_space<vmem>> -> memref<128x64xf32, #tpu.memory_space<vmem>>
    %dma_wait3A_40 = arith.constant 0 : i32
    %dma_wait3A_41 = arith.constant 0 : i32
    %dma_wait3A_42 = tpu.memref_slice %arg4[%mul3A_2, %dma_wait3A_40, %dma_wait3A_41] : memref<4096x128x64xf32, #tpu.memory_space<hbm>> -> memref<1x128x64xf32, #tpu.memory_space<hbm>>
    %dma_wait3A_43 = tpu.memref_squeeze %dma_wait3A_42 : memref<1x128x64xf32, #tpu.memory_space<hbm>> -> memref<128x64xf32, #tpu.memory_space<hbm>>
    %dma_wait3A_44 = arith.constant 0 : i32
    %dma_wait3A_45 = arith.constant 0 : i32
    %dma_wait3A_46 = tpu.memref_slice %arg4[%mul3A_2, %dma_wait3A_44, %dma_wait3A_45] : memref<4096x128x64xf32, #tpu.memory_space<hbm>> -> memref<1x128x64xf32, #tpu.memory_space<hbm>>
    %dma_wait3A_47 = tpu.memref_squeeze %dma_wait3A_46 : memref<1x128x64xf32, #tpu.memory_space<hbm>> -> memref<128x64xf32, #tpu.memory_space<hbm>>
    %dma_wait3A_48 = arith.constant 0 : i32
    %dma_wait3A_49 = arith.constant 0 : i32
    %dma_wait3A_50 = tpu.memref_slice %arg6[%dma_wait3A_35, %dma_wait3A_48, %dma_wait3A_49] : memref<4x128x64xf32, #tpu.memory_space<vmem>> -> memref<1x128x64xf32, #tpu.memory_space<vmem>>
    %dma_wait3A_51 = tpu.memref_squeeze %dma_wait3A_50 : memref<1x128x64xf32, #tpu.memory_space<vmem>> -> memref<128x64xf32, #tpu.memory_space<vmem>>
    tpu.wait_dma2 semaphore(%arg8 : memref<!tpu.dma_semaphore, #tpu.memory_space<semaphore_mem>>) src(%dma_wait3A_51 : memref<128x64xf32, #tpu.memory_space<vmem>>) dst(%dma_wait3A_47 : memref<128x64xf32, #tpu.memory_space<hbm>>)
    %dma_wait3A_52 = arith.constant 0 : i32
    %dma_wait3A_53 = arith.constant 0 : i32
    %dma_wait3A_54 = arith.constant 0 : i32
    %dma_wait3A_55 = tpu.memref_slice %arg6[%dma_wait3A_52, %dma_wait3A_53, %dma_wait3A_54] : memref<4x128x64xf32, #tpu.memory_space<vmem>> -> memref<1x128x64xf32, #tpu.memory_space<vmem>>
    %dma_wait3A_56 = tpu.memref_squeeze %dma_wait3A_55 : memref<1x128x64xf32, #tpu.memory_space<vmem>> -> memref<128x64xf32, #tpu.memory_space<vmem>>
    %dma_wait3A_57 = arith.constant 0 : i32
    %dma_wait3A_58 = arith.constant 0 : i32
    %dma_wait3A_59 = tpu.memref_slice %arg4[%mul3A_2, %dma_wait3A_57, %dma_wait3A_58] : memref<4096x128x64xf32, #tpu.memory_space<hbm>> -> memref<1x128x64xf32, #tpu.memory_space<hbm>>
    %dma_wait3A_60 = tpu.memref_squeeze %dma_wait3A_59 : memref<1x128x64xf32, #tpu.memory_space<hbm>> -> memref<128x64xf32, #tpu.memory_space<hbm>>
    %dma_wait3A_61 = arith.constant 0 : i32
    %dma_wait3A_62 = arith.constant 0 : i32
    %dma_wait3A_63 = tpu.memref_slice %arg4[%mul3A_2, %dma_wait3A_61, %dma_wait3A_62] : memref<4096x128x64xf32, #tpu.memory_space<hbm>> -> memref<1x128x64xf32, #tpu.memory_space<hbm>>
    %dma_wait3A_64 = tpu.memref_squeeze %dma_wait3A_63 : memref<1x128x64xf32, #tpu.memory_space<hbm>> -> memref<128x64xf32, #tpu.memory_space<hbm>>
    %dma_wait3A_65 = arith.constant 0 : i32
    %dma_wait3A_66 = arith.constant 0 : i32
    %dma_wait3A_67 = tpu.memref_slice %arg6[%dma_wait3A_52, %dma_wait3A_65, %dma_wait3A_66] : memref<4x128x64xf32, #tpu.memory_space<vmem>> -> memref<1x128x64xf32, #tpu.memory_space<vmem>>
    %dma_wait3A_68 = tpu.memref_squeeze %dma_wait3A_67 : memref<1x128x64xf32, #tpu.memory_space<vmem>> -> memref<128x64xf32, #tpu.memory_space<vmem>>
    tpu.wait_dma2 semaphore(%arg8 : memref<!tpu.dma_semaphore, #tpu.memory_space<semaphore_mem>>) src(%dma_wait3A_68 : memref<128x64xf32, #tpu.memory_space<vmem>>) dst(%dma_wait3A_64 : memref<128x64xf32, #tpu.memory_space<hbm>>)
    return
  }
}

</mosaic_0001>

<sc_bundles>
// kernel: kernel.4.cloned.1.call-start
scs
__scs_entry_jumppad:
0x0: {  	(pc) =	sbr.rel $0x88, $3  }
0x1: {  	(tag) =	ssettag $0x0;
	lr =	simm.s32 $0x1  }
0x2: {  	[smem:$0x3F9F] =	sst lr;
	_ =	strace $0xD0000000  }
0x3: {  	_ = 	snop  }
0x4: {  	_ = 	snop  }
0x5: {  	_ = 	snop  }
0x6: {  	_ = 	snop  }
0x7: {  	_ = 	snop  }
__scs_overlays_trampoline_lowered:
0x8: {  	[smem:$0x3FAE] =	sst s0  }
0x9: {  	[smem:$0x3FAF] =	sst s1  }
0xa: {  	[smem:$0x3FB0] =	sst s2  }
0xb: {  	[smem:$0x3FB1] =	sst s3  }
0xc: {  	[smem:$0x3FB2] =	sst s4  }
0xd: {  	[smem:$0x3FB3] =	sst s5  }
0xe: {  	[smem:$0x3FB4] =	sst s6  }
0xf: {  	[smem:$0x3FB5] =	sst s7  }
0x10: {  	[smem:$0x3FB6] =	sst s8  }
0x11: {  	[smem:$0x3FB7] =	sst s9;
	s0 =	simm.s32 @!p0 $0x0  }
0x12: {  	s1 =	sld [smem:$0x3F9D];
	s0 =	simm.s32 @p0 $0x1  }
0x13: {  	[smem:$0x3FB8] =	sst s0;
	s0 =	simm.s32 @!p1 $0x0  }
0x14: {  	s2 =	sld [smem:$0x3F9C];
	s0 =	simm.s32 @p1 $0x1  }
0x15: {  	[smem:$0x3FB9] =	sst s0;
	s0 =	simm.s32 @!p2 $0x0  }
0x16: {  	s3 =	sld [smem:$0x3FDB];
	s0 =	simm.s32 @p2 $0x1  }
0x17: {  	s4 =	simm.s32 $0x1BF5;
	[smem:$0x3FBB] =	sst s0  }
0x18: {  	s0 =	sld [smem:$0x3F9E];
	_ =	swait.ge [sflag:s4], $0x0  }
0x19: {  	s7 =	sld [smem:$0x3F9F]  }
0x1a: {  	s8 =	sadd.s32 $0xFFFFE003, lr  }
0x1b: {  	s9 =	sadd.s32 $0xFFFFFEF7, lr;
	s5 =	simm.s32 $0xFFFFFFFF;
	p2 =	slt.u32 s8, $0xFFFFF086  }
0x1c: {  	p1 =	slt.u32 s9, $0xF7A;
	s5 =	simm.s32 @!p2 $0x0  }
0x1d: {  	s5 =	simm.s32 @p1 $0x1;
	p0 =	seq.s32 s7, s2  }
0x1e: {  	s7 =	smul.u32 @!p0 $0xF7A, s2;
	p2 =	seq.s32 @!p0 s5, $0x0  }
0x1f: {  	s9 =	smul.u32 $0xF7A, s1;
	s8 =	simm.s32 @!p0 $0x1BF5;
	p2 =	por !p2, p0  }
0x20: {  	[sflag:s8] =	ssyncset.s32 @!p0 $0xFFFFF086;
	s6 =	sadd.s32 @!p0 s3, s7;
	s7 =	simm.s32 @!p0 $0x108  }
0x21: {  	s3 =	sadd.s32 s3, s9;
	s6 =	sadd.s32 @!p0 $0x88, s6;
	s7 =	simm.s32 @p2 $0x1082  }
0x22: {  	[simem:s7], [sflag:s8] =	dma.local @!p0 [hbm:s6], $0xF7A  }
0x23: {  	s9 =	sor.u32 $0xD0000000, s2;
	s6 =	simm.s32 $0x108;
	_ =	swait.ge @!p0 [sflag:s8], $0x0  }
0x24: {  	s3 =	sadd.s32 $0x88, s3;
	s6 =	simm.s32 @!p1 $0x1082;
	[sflag:s4] =	ssyncset.s32 $0xFFFFF086  }
0x25: {  	[simem:s6], [sflag:s4] =	dma.local [hbm:s3], $0xF7A  }
0x26: {  	[smem:$0x3F9F] =	sst s1;
	(tag) =	ssettag s2;
	_ =	strace s9  }
0x27: {  	s1 =	sld [smem:$0x3FAF]  }
0x28: {  	s2 =	sld [smem:$0x3FB0]  }
0x29: {  	s4 =	sld [smem:$0x3FB2]  }
0x2a: {  	p0 =	seq.s32 s5, $0x0;
	s5 =	sld [smem:$0x3FB3]  }
0x2b: {  	s6 =	sld [smem:$0x3FB4]  }
0x2c: {  	s7 =	sld [smem:$0x3FB5]  }
0x2d: {  	s3 =	simm.s32 $0x108;
	s8 =	sld [smem:$0x3FB6]  }
0x2e: {  	s3 =	simm.s32 @!p0 $0x1082;
	s9 =	sld [smem:$0x3FB7]  }
0x2f: {  	lr =	sadd.s32 s0, s3;
	s0 =	sld [smem:$0x3FAE]  }
0x30: {  	s3 =	sld [smem:$0x3FB1]  }
0x31: {  	[smem:$0x3FBA] =	sst s10  }
0x32: {  	s10 =	sld [smem:$0x3FB8];
	_ =	sdelay $0x3  }
0x33: {  	p0 =	seq.s32 s10, $0x1;
	s10 =	sld [smem:$0x3FBA];
	_ =	sdelay $0x3  }
0x34: {  	[smem:$0x3FBA] =	sst s10  }
0x35: {  	s10 =	sld [smem:$0x3FB9];
	_ =	sdelay $0x3  }
0x36: {  	p1 =	seq.s32 s10, $0x1;
	s10 =	sld [smem:$0x3FBA];
	_ =	sdelay $0x3  }
0x37: {  	[smem:$0x3FBA] =	sst s10  }
0x38: {  	s10 =	sld [smem:$0x3FBB]  }
0x39: {  	_ = 	snop;
	(pc) =	sbr.ind lr, $3  }
0x3a: {  	_ = 	snop  }
0x3b: {  	_ = 	snop  }
0x3c: {  	p2 =	seq.s32 s10, $0x1;
	s10 =	sld [smem:$0x3FBA]  }
0x3d: {  	_ =	shalt  }
0x3e: {  	_ =	shalt  }
0x3f: {  	_ =	shalt  }
0x40: {  	_ =	shalt  }
0x41: {  	_ =	shalt  }
0x42: {  	_ =	shalt  }
0x43: {  	_ =	shalt  }
0x44: {  	_ =	shalt  }
0x45: {  	_ =	shalt  }
0x46: {  	_ =	shalt  }
0x47: {  	_ =	shalt  }
0x48: {  	_ =	shalt  }
0x49: {  	_ =	shalt  }
0x4a: {  	_ =	shalt  }
0x4b: {  	_ =	shalt  }
0x4c: {  	_ =	shalt  }
0x4d: {  	_ =	shalt  }
0x4e: {  	_ =	shalt  }
0x4f: {  	_ =	shalt  }
0x50: {  	_ =	shalt  }
0x51: {  	_ =	shalt  }
0x52: {  	_ =	shalt  }
0x53: {  	_ =	shalt  }
0x54: {  	_ =	shalt  }
0x55: {  	_ =	shalt  }
0x56: {  	_ =	shalt  }
0x57: {  	_ =	shalt  }
0x58: {  	_ =	shalt  }
0x59: {  	_ =	shalt  }
0x5a: {  	_ =	shalt  }
0x5b: {  	_ =	shalt  }
0x5c: {  	_ =	shalt  }
0x5d: {  	_ =	shalt  }
0x5e: {  	_ =	shalt  }
0x5f: {  	_ =	shalt  }
0x60: {  	_ =	shalt  }
0x61: {  	_ =	shalt  }
0x62: {  	_ =	shalt  }
0x63: {  	_ =	shalt  }
0x64: {  	_ =	shalt  }
0x65: {  	_ =	shalt  }
0x66: {  	_ =	shalt  }
0x67: {  	_ =	shalt  }
0x68: {  	_ =	shalt  }
0x69: {  	_ =	shalt  }
0x6a: {  	_ =	shalt  }
0x6b: {  	_ =	shalt  }
0x6c: {  	_ =	shalt  }
0x6d: {  	_ =	shalt  }
0x6e: {  	_ =	shalt  }
0x6f: {  	_ =	shalt  }
0x70: {  	_ =	shalt  }
0x71: {  	_ =	shalt  }
0x72: {  	_ =	shalt  }
0x73: {  	_ =	shalt  }
0x74: {  	_ =	shalt  }
0x75: {  	_ =	shalt  }
0x76: {  	_ =	shalt  }
0x77: {  	_ =	shalt  }
0x78: {  	_ =	shalt  }
0x79: {  	_ =	shalt  }
0x7a: {  	_ =	shalt  }
0x7b: {  	_ =	shalt  }
0x7c: {  	_ =	shalt  }
0x7d: {  	_ =	shalt  }
0x7e: {  	_ =	shalt  }
0x7f: {  	_ =	shalt  }
0x80: {  	_ =	shalt  }
0x81: {  	_ =	shalt  }
0x82: {  	_ =	shalt  }
0x83: {  	_ =	shalt  }
0x84: {  	_ =	shalt  }
0x85: {  	_ =	shalt  }
0x86: {  	_ =	shalt  }
0x87: {  	_ =	shalt  }
.Lfunc_end0:
.L_simem_size_0:
called_computation.1_lowered:
.L_overlay_start_0:
0x88: {  	s2 =	sld [smem:$0x3FD9]  }
0x89: {  	s3 =	sld [smem:$0x3FFE];
	_ =	sdelay $0x1  }
0x8a: {  	s1 =	srdreg.scid  }
0x8b: {  	s0 =	sand.u32 $0x1, s1  }
0x8c: {  	s17 =	sshll.u32 s0, $0xA;
	s2 =	sadd.s32 s3, s2  }
0x8d: {  	s2 =	sadd.s32 s2, s17  }
0x8e: {  	[smem:$0x3FC6] =	sst s2  }
0x8f: {  	_ = 	snop  }
0x90: {  	(tm) =	ssettm $0x1  }
0x91: {  	s18 =	sld [smem:$0x3FFB];
	_ =	sdelay $0x3  }
0x92: {  	_ =	strace s18  }
0x93: {  	s2 =	sld [smem:$0x3FFC];
	_ =	sdelay $0x3  }
0x94: {  	_ =	strace s2  }
0x95: {  	s2 =	sld [smem:$0x3FFD];
	_ =	sdelay $0x3  }
0x96: {  	_ =	strace s2  }
0x97: {  	_ =	strace $0x8FFFFFFF  }
0x98: {  	s19 =	sld [smem:$0x3FDB];
	_ =	sdelay $0x1  }
0x99: {  	s20 =	simm.s32 $_scs_section_size  }
0x9a: {  	s4 =	simm.s32 $_size__tile_overlayer_lowered;
	s5 =	simm.s32 $_tile_overlayer_lowered  }
0x9b: {  	s6 =	simm.s32 $0x1BFF;
	s21 =	sshll.u32 s5, $0x1;
	s3 =	sadd.s32 s20, s19  }
0x9c: {  	s22 =	simm.s32 $0x0;
	s4 =	sshll.u32 s4, $0x1;
	s5 =	sadd.s32 s21, s3  }
0x9d: {  	[timem:s22], [sflag:s6] =	dma.local [hbm:s5], s4  }
0x9e: {  	_ =	swait.ge [sflag:s6], s4  }
0x9f: {  	s4 =	ssub.s32 $0x0, s4;
	[sflag:s6] =	ssyncset.done $0x0  }
0xa0: {  	[sflag:s6] =	ssyncadd.s32 s4;
	_ =	sdelay $0x1  }
0xa1: {  	s23 =	simm.s32 $0x1B8B  }
0xa2: {  	_ =	swait.ge [sflag:s23], $0x1  }
0xa3: {  	[sflag:s23] =	ssyncset.done $0x0  }
0xa4: {  	[sflag:s23] =	ssyncadd.s32 $0xFFFFFFFF  }
0xa5: {  	s4 =	sld [smem:$0x0]  }
0xa6: {  	s5 =	sand.u32 $0xFFFFFFFE, s1  }
0xa7: {  	p0 =	sne.s32 s1, s5  }
0xa8: {  	s5 =	sshll.u32 @p0 s5, $0xE  }
0xa9: {  	s5 =	sadd.s32 @p0 $0x11B8D, s5;
	s6 =	sshll.u32 @p0 s4, $0x11  }
0xaa: {  	s5 =	sor.u32 @p0 s6, s5  }
0xab: {  	[sflag:s5] =	ssyncadd.remote.s32 @p0 $0x1;
	_ =	sdelay $0x1  }
0xac: {  	s5 =	simm.s32 @p0 $0x1B8D  }
0xad: {  	_ =	swait.eq @p0 [sflag:s5], $0x1  }
0xae: {  	[sflag:s5] =	ssyncadd.s32 @p0 $0xFFFFFFFF  }
0xaf: {  	s6 =	sshll.u32 @!p0 s1, $0xE  }
0xb0: {  	s6 =	sor.u32 @!p0 $0x4000, s6;
	s5 =	simm.s32 @!p0 $0x1B8D  }
0xb1: {  	s4 =	sshll.u32 @!p0 s4, $0x11;
	s6 =	sadd.s32 @!p0 $0x11B8D, s6;
	_ =	swait.eq @!p0 [sflag:s5], $0x1  }
0xb2: {  	s4 =	sor.u32 @!p0 s4, s6;
	[sflag:s5] =	ssyncadd.s32 @!p0 $0xFFFFFFFF  }
0xb3: {  	s25 =	simm.s32 $0x1B8E;
	s24 =	sld [smem:$0x3FFE];
	[sflag:s4] =	ssyncadd.remote.s32 @!p0 $0x1  }
0xb4: {  	s26 =	simm.s32 $execute0_lowered;
	[smem:$0x3FD2] =	sst s25  }
0xb5: {  	s5 =	sshll.u32 s26, $0x1;
	_ =	strace $0x80000049;
	[dreg:$0x1] =	wrdreg $0xFFFFFFFF  }
0xb6: {  	s28 =	simm.s32 $_size_execute0_lowered;
	s3 =	sadd.s32 s3, s5;
	[dreg:$0x0] =	wrdreg $0x0  }
0xb7: {  	s5 =	sshll.u32 s28, $0x1;
	[dreg:$0x2] =	wrdreg s3  }
0xb8: {  	[dreg:$0x3] =	wrdreg s5  }
0xb9: {  	[dreg:$0x4] =	wrdreg $0xC0  }
0xba: {  	_ =	task [dreg:s22], $0x5FFFF  }
0xbb: {  	[dreg:$0x1] =	wrdreg $0xFFFFFFFF  }
0xbc: {  	[dreg:$0x0] =	wrdreg $0x60  }
0xbd: {  	[dreg:$0x2] =	wrdreg s24  }
0xbe: {  	[dreg:$0x3] =	wrdreg $0x9  }
0xbf: {  	_ =	task.clear_ibuf [dreg:s22], $0x4FFFF;
	_ =	strace $0x90000049  }
0xc0: {  	s29 =	simm.s32 $0x9;
	_ =	strace $0x8000004B  }
0xc1: {  	_ =	swait.ge [sflag:s29], $0x1  }
0xc2: {  	[sflag:s29] =	ssyncadd.s32 $0xFFFFFFFF  }
0xc3: {  	_ =	strace $0x9000004B  }
0xc4: {  	_ =	sfence  }
0xc5: {  	s30 =	sld [smem:$0x0];
	_ =	sdelay $0x2  }
0xc6: {  	s31 =	sshll.u32 s1, $0xD;
	s1 =	sshrl.u32 s1, $0x2  }
0xc7: {  	s4 =	sand.u32 $0x4000, s31;
	s1 =	sadd.s32 s1, s30  }
0xc8: {  	s0 =	sor.u32 s4, s0;
	s1 =	sshll.u32 s1, $0x11  }
0xc9: {  	s0 =	sor.u32 s1, s0  }
0xca: {  	s0 =	sadd.s32 $0x8F2B, s0  }
0xcb: {  	[sflag:s0] =	ssyncadd.remote.s32 $0x1  }
0xcc: {  	_ =	sfence.sel $0xFFFF  }
0xcd: {  	[dreg:$0x0] =	wrdreg $0xFFFFFFFF;
	(pc) =	sbr.abs _section_cstart, $3  }
0xce: {  	[dreg:$0x1] =	wrdreg $0xFFFFFFFF  }
0xcf: {  	_ =	task.clear_ibuf [dreg:s22], $0x2FFFF;
	_ =	strace $0x9FFFFFFF  }
0xd0: {  	(tm) =	ssettm $0x7FFFFFFF  }
0xd1: {  	_ =	shalt  }
tec
execute0_lowered:
.L_overlay_start_1:
0x0: {  	(tag) =	ssettag $0x1  }
0x1: {  	s4 =	rddreg [dreg:$0x0]  }
0x2: {  	s0 =	rddreg [dreg:$0x1]  }
0x3: {  	s2 =	simm.s32 $0x0;
	s3 =	srdreg.scid;
	s1 =	stileid.u32  }
0x4: {  	s10 =	simm.s32 $0x6000;
	s11 =	simm.s32 $0x1;
	s12 =	simm.s32 $0x8000  }
0x5: {  	s13 =	simm.s32 $0xA000;
	s14 =	simm.s32 $0x2;
	s15 =	simm.s32 $0x0  }
0x6: {  	[smem:$0x7FF] =	sst s2;
	s5 =	sand.u32 $0x1, s3;
	s3 =	sadd.s32 $0xF43400, s4  }
0x7: {  	s6 =	sshll.u32 s1, $0xC;
	s30 =	sshll.u32 s1, $0x12;
	_ =	strace $0x8000004A  }
0x8: {  	s7 =	sshll.u32 s5, $0xB;
	s8 =	ssub.s32 $0x2, s5;
	s5 =	sshll.u32 s5, $0x11  }
0x9: {  	s6 =	sor.u32 s7, s6;
	s7 =	sadd.s32 s30, s4;
	s9 =	sshrl.u32 s8, $0x1  }
0xa: {  	s4 =	sadd.s32 s6, s4;
	s31 =	ssub.s32 s8, s9;
	s7 =	sadd.s32 s5, s7  }
0xb: {  	s8 =	simm.s32 $0x80;
	s9 =	simm.s32 $0x4000;
	s4 =	sadd.s32 $0x241000, s4  }
0xc: {  	s5 =	smax.u32 s31, $0x1;
	s6 =	sadd.s32 $0x251000, s7;
	s7 =	simm.s32 $0x3  }
.LBB2_1:
0xd: {  	[tilespmem:s2], [sflag:$0x3] =	stream.linear.gather [hbm4b:s4+s2], $0x4000, $0x38;
	[tilespmem:$0xC000] =	vst v63  }
0xe: {  	p0 =	por $0x1, $0x1;
	_ =	swait.ge [sflag:s7], $0x4000  }
0xf: {  	p0 =	por p0, p0;
	[sflag:s7] =	ssyncset.done $0x0  }
0x10: {  	s16 =	simm.s32 @!p0 $0x2;
	[sflag:s7] =	ssyncadd.s32 $0xFFFFC000  }
0x11: {  	[tilespmem:s9], [sflag:$0x1] =	stream.indirect.gather [hbm4b:s3+s8], $0x40, s2, s8, $0xb8;
	[tilespmem:$0xC000] =	vst v63  }
0x12: {  	_ =	swait.ge @!p0 [sflag:s16], $0x2000  }
0x13: {  	[sflag:s16] =	ssyncset.done @!p0 $0x0  }
0x14: {  	s17 =	simm.s32 $0x80;
	[sflag:s16] =	ssyncadd.s32 @!p0 $0xFFFFE000  }
0x15: {  	[tilespmem:s10], [sflag:$0x1] =	stream.indirect.gather [hbm4b:s3+s8], $0x40, s17, s8, $0xb8;
	[tilespmem:$0xC000] =	vst v63  }
0x16: {  	_ =	swait.ge [sflag:s11], $0x2000  }
0x17: {  	[sflag:s11] =	ssyncset.done $0x0  }
0x18: {  	[sflag:s11] =	ssyncadd.s32 $0xFFFFE000  }
0x19: {  	[hbm4b:s6+s2] =	stream.linear.scatter [tilespmem:s9], [sflag:$0x2], $0x2000, $0x38;
	[tilespmem:$0xC000] =	vst v63  }
0x1a: {  	_ =	swait.ge @!p0 [sflag:s16], $0x2000  }
0x1b: {  	[sflag:s16] =	ssyncset.done @!p0 $0x0  }
0x1c: {  	s28 =	simm.s32 $0x100;
	[sflag:s16] =	ssyncadd.s32 @!p0 $0xFFFFE000  }
0x1d: {  	[tilespmem:s12], [sflag:$0x1] =	stream.indirect.gather [hbm4b:s3+s8], $0x40, s28, s8, $0xb8;
	[tilespmem:$0xC000] =	vst v63  }
0x1e: {  	_ =	swait.ge [sflag:s11], $0x2000  }
0x1f: {  	[sflag:s11] =	ssyncset.done $0x0  }
0x20: {  	s29 =	sadd.s32 $0x400, s6;
	[sflag:s11] =	ssyncadd.s32 $0xFFFFE000  }
0x21: {  	[hbm4b:s29+s2] =	stream.linear.scatter [tilespmem:s10], [sflag:$0x2], $0x2000, $0x38;
	[tilespmem:$0xC000] =	vst v63  }
0x22: {  	_ =	swait.ge @!p0 [sflag:s16], $0x2000  }
0x23: {  	[sflag:s16] =	ssyncset.done @!p0 $0x0  }
0x24: {  	s30 =	simm.s32 $0x180;
	[sflag:s16] =	ssyncadd.s32 @!p0 $0xFFFFE000  }
0x25: {  	[tilespmem:s13], [sflag:$0x1] =	stream.indirect.gather [hbm4b:s3+s8], $0x40, s30, s8, $0xb8;
	[tilespmem:$0xC000] =	vst v63  }
0x26: {  	_ =	swait.ge [sflag:s11], $0x2000  }
0x27: {  	[sflag:s11] =	ssyncset.done $0x0  }
0x28: {  	s31 =	sadd.s32 $0x800, s6;
	[sflag:s11] =	ssyncadd.s32 $0xFFFFE000  }
0x29: {  	[hbm4b:s31+s2] =	stream.linear.scatter [tilespmem:s12], [sflag:$0x2], $0x2000, $0x38;
	[tilespmem:$0xC000] =	vst v63  }
0x2a: {  	p0 =	por $0x0, $0x0;
	_ =	swait.ge [sflag:s14], $0x2000  }
0x2b: {  	s16 =	simm.s32 @!p0 $0x4000;
	[sflag:s14] =	ssyncset.done $0x0  }
0x2c: {  	s17 =	simm.s32 @!p0 $0x200;
	s18 =	simm.s32 @!p0 $0x80;
	[sflag:s14] =	ssyncadd.s32 $0xFFFFE000  }
0x2d: {  	[tilespmem:s16], [sflag:$0x1] =	stream.indirect.gather @!p0 [hbm4b:s3+s18], $0x40, s17, s18, $0xb8;
	[tilespmem:$0xC000] =	vst v63  }
0x2e: {  	p6 =	por $0x0, $0x0;
	s19 =	sadd.s32 $0xC00, s6;
	_ =	swait.ge [sflag:s11], $0x2000  }
0x2f: {  	s17 =	simm.s32 $0x800;
	s18 =	simm.s32 $0x1000;
	[sflag:s11] =	ssyncset.done $0x0  }
0x30: {  	p0 =	por p6, p6;
	s16 =	sadd.s32 $0x1000, s6;
	[sflag:s11] =	ssyncadd.s32 $0xFFFFE000  }
.LBB2_2:
0x31: {  	[hbm4b:s19+s2] =	stream.linear.scatter [tilespmem:s13], [sflag:$0x2], $0x2000, $0x38;
	[tilespmem:$0xC000] =	vst v63  }
0x32: {  	s19 =	smov.u32 s18  }
0x33: {  	s18 =	sadd.s32 $0x800, s18;
	s20 =	simm.s32 @!p0 $0x2;
	p2 =	seq.s32 s19, $0x0  }
0x34: {  	p1 =	sne.s32 s18, $0x10000;
	_ =	swait.ge @!p0 [sflag:s20], $0x2000  }
0x35: {  	s21 =	sshra.s32 s17, $0x2;
	[sflag:s20] =	ssyncset.done @!p0 $0x0  }
0x36: {  	s22 =	sadd.s32 $0x80, s21;
	[sflag:s20] =	ssyncadd.s32 @!p0 $0xFFFFE000  }
0x37: {  	[tilespmem:s10], [sflag:$0x1] =	stream.indirect.gather [hbm4b:s3+s8], $0x40, s22, s8, $0xb8;
	[tilespmem:$0xC000] =	vst v63  }
0x38: {  	_ =	swait.ge [sflag:s11], $0x2000  }
0x39: {  	[sflag:s11] =	ssyncset.done $0x0  }
0x3a: {  	[sflag:s11] =	ssyncadd.s32 $0xFFFFE000  }
0x3b: {  	[hbm4b:s16+s2] =	stream.linear.scatter [tilespmem:s9], [sflag:$0x2], $0x2000, $0x38;
	[tilespmem:$0xC000] =	vst v63  }
0x3c: {  	_ =	swait.ge @!p0 [sflag:s20], $0x2000  }
0x3d: {  	[sflag:s20] =	ssyncset.done @!p0 $0x0  }
0x3e: {  	s22 =	sadd.s32 $0x100, s21;
	[sflag:s20] =	ssyncadd.s32 @!p0 $0xFFFFE000  }
0x3f: {  	[tilespmem:s12], [sflag:$0x1] =	stream.indirect.gather [hbm4b:s3+s8], $0x40, s22, s8, $0xb8;
	[tilespmem:$0xC000] =	vst v63  }
0x40: {  	_ =	swait.ge [sflag:s11], $0x2000  }
0x41: {  	[sflag:s11] =	ssyncset.done $0x0  }
0x42: {  	s22 =	sadd.s32 $0x400, s16;
	[sflag:s11] =	ssyncadd.s32 $0xFFFFE000  }
0x43: {  	[hbm4b:s22+s2] =	stream.linear.scatter [tilespmem:s10], [sflag:$0x2], $0x2000, $0x38;
	[tilespmem:$0xC000] =	vst v63  }
0x44: {  	_ =	swait.ge @!p0 [sflag:s20], $0x2000  }
0x45: {  	[sflag:s20] =	ssyncset.done @!p0 $0x0  }
0x46: {  	[sflag:s20] =	ssyncadd.s32 @!p0 $0xFFFFE000;
	s20 =	sadd.s32 $0x180, s21;
	p0 =	por p2, p2  }
0x47: {  	[tilespmem:s13], [sflag:$0x1] =	stream.indirect.gather [hbm4b:s3+s8], $0x40, s20, s8, $0xb8;
	[tilespmem:$0xC000] =	vst v63  }
0x48: {  	_ =	swait.ge [sflag:s11], $0x2000  }
0x49: {  	[sflag:s11] =	ssyncset.done $0x0  }
0x4a: {  	p2 =	seq.s32 s17, $0xF800;
	s20 =	sadd.s32 $0x800, s16;
	[sflag:s11] =	ssyncadd.s32 $0xFFFFE000  }
0x4b: {  	[hbm4b:s20+s2] =	stream.linear.scatter [tilespmem:s12], [sflag:$0x2], $0x2000, $0x38;
	[tilespmem:$0xC000] =	vst v63  }
0x4c: {  	s17 =	sshra.s32 @!p2 s17, $0x2;
	_ =	swait.ge [sflag:s14], $0x2000  }
0x4d: {  	s21 =	simm.s32 @!p2 $0x80;
	s20 =	simm.s32 @!p2 $0x4000;
	[sflag:s14] =	ssyncset.done $0x0  }
.Ltmp0:
0x4e: {  	s17 =	sadd.s32 @!p2 $0x200, s17;
	[sflag:s14] =	ssyncadd.s32 $0xFFFFE000;
	(pc) =	sbr.rel @p1 .LBB2_2-.Ltmp0, $4  }
0x4f: {  	[tilespmem:s20], [sflag:$0x1] =	stream.indirect.gather @!p2 [hbm4b:s3+s21], $0x40, s17, s21, $0xb8;
	[tilespmem:$0xC000] =	vst v63  }
0x50: {  	s17 =	smov.u32 s19;
	_ =	swait.ge [sflag:s11], $0x2000  }
0x51: {  	[sflag:s11] =	ssyncset.done $0x0  }
0x52: {  	s19 =	sadd.s32 $0xC00, s16;
	s16 =	sadd.s32 $0x1000, s16;
	[sflag:s11] =	ssyncadd.s32 $0xFFFFE000  }
0x53: {  	[hbm4b:s19+s2] =	stream.linear.scatter [tilespmem:s13], [sflag:$0x2], $0x2000, $0x38;
	[tilespmem:$0xC000] =	vst v63  }
0x54: {  	s18 =	simm.s32 @!p0 $0x2  }
0x55: {  	_ =	swait.ge @!p0 [sflag:s18], $0x2000  }
0x56: {  	s25 =	sshra.s32 s17, $0x2;
	[sflag:s18] =	ssyncset.done @!p0 $0x0  }
0x57: {  	s20 =	sadd.s32 $0x80, s25;
	[sflag:s18] =	ssyncadd.s32 @!p0 $0xFFFFE000  }
0x58: {  	[tilespmem:s10], [sflag:$0x1] =	stream.indirect.gather [hbm4b:s3+s8], $0x40, s20, s8, $0xb8;
	[tilespmem:$0xC000] =	vst v63  }
0x59: {  	_ =	swait.ge [sflag:s11], $0x2000  }
0x5a: {  	[sflag:s11] =	ssyncset.done $0x0  }
0x5b: {  	[sflag:s11] =	ssyncadd.s32 $0xFFFFE000  }
0x5c: {  	[hbm4b:s16+s2] =	stream.linear.scatter [tilespmem:s9], [sflag:$0x2], $0x2000, $0x38;
	[tilespmem:$0xC000] =	vst v63  }
0x5d: {  	_ =	swait.ge @!p0 [sflag:s18], $0x2000  }
0x5e: {  	[sflag:s18] =	ssyncset.done @!p0 $0x0  }
0x5f: {  	s26 =	sadd.s32 $0x100, s25;
	[sflag:s18] =	ssyncadd.s32 @!p0 $0xFFFFE000  }
0x60: {  	[tilespmem:s12], [sflag:$0x1] =	stream.indirect.gather [hbm4b:s3+s8], $0x40, s26, s8, $0xb8;
	[tilespmem:$0xC000] =	vst v63  }
0x61: {  	_ =	swait.ge [sflag:s11], $0x2000  }
0x62: {  	[sflag:s11] =	ssyncset.done $0x0  }
0x63: {  	s28 =	sadd.s32 $0x400, s16;
	[sflag:s11] =	ssyncadd.s32 $0xFFFFE000  }
0x64: {  	[hbm4b:s28+s2] =	stream.linear.scatter [tilespmem:s10], [sflag:$0x2], $0x2000, $0x38;
	[tilespmem:$0xC000] =	vst v63  }
0x65: {  	_ =	swait.ge @!p0 [sflag:s18], $0x2000  }
0x66: {  	[sflag:s18] =	ssyncset.done @!p0 $0x0  }
0x67: {  	s29 =	sadd.s32 $0x180, s25;
	[sflag:s18] =	ssyncadd.s32 @!p0 $0xFFFFE000  }
0x68: {  	[tilespmem:s13], [sflag:$0x1] =	stream.indirect.gather [hbm4b:s3+s8], $0x40, s29, s8, $0xb8;
	[tilespmem:$0xC000] =	vst v63  }
0x69: {  	_ =	swait.ge [sflag:s11], $0x2000  }
0x6a: {  	[sflag:s11] =	ssyncset.done $0x0  }
0x6b: {  	s30 =	sadd.s32 $0x800, s16;
	[sflag:s11] =	ssyncadd.s32 $0xFFFFE000  }
0x6c: {  	[hbm4b:s30+s2] =	stream.linear.scatter [tilespmem:s12], [sflag:$0x2], $0x2000, $0x38;
	[tilespmem:$0xC000] =	vst v63  }
0x6d: {  	p0 =	seq.s32 s17, $0xF800;
	_ =	swait.ge [sflag:s14], $0x2000  }
0x6e: {  	s17 =	sshra.s32 @!p0 s17, $0x2;
	s18 =	simm.s32 @!p0 $0x4000;
	[sflag:s14] =	ssyncset.done $0x0  }
0x6f: {  	s19 =	simm.s32 @!p0 $0x80;
	s17 =	sadd.s32 @!p0 $0x200, s17;
	[sflag:s14] =	ssyncadd.s32 $0xFFFFE000  }
0x70: {  	[tilespmem:s18], [sflag:$0x1] =	stream.indirect.gather @!p0 [hbm4b:s3+s19], $0x40, s17, s19, $0xb8;
	[tilespmem:$0xC000] =	vst v63  }
0x71: {  	_ =	swait.ge [sflag:s11], $0x2000  }
0x72: {  	[sflag:s11] =	ssyncset.done $0x0  }
0x73: {  	s31 =	sadd.s32 $0xC00, s16;
	[sflag:s11] =	ssyncadd.s32 $0xFFFFE000  }
0x74: {  	[hbm4b:s31+s2] =	stream.linear.scatter [tilespmem:s13], [sflag:$0x2], $0x2000, $0x38;
	[tilespmem:$0xC000] =	vst v63  }
0x75: {  	_ =	swait.ge [sflag:s14], $0x2000  }
0x76: {  	[sflag:s14] =	ssyncset.done $0x0  }
0x77: {  	s15 =	sadd.s32 $0x1, s15;
	[sflag:s14] =	ssyncadd.s32 $0xFFFFE000  }
0x78: {  	p0 =	sne.s32 s15, s5;
	_ =	swait.ge [sflag:s14], $0x2000  }
.Ltmp1:
0x79: {  	[sflag:s14] =	ssyncset.done $0x0;
	(pc) =	sbr.rel @p0 .LBB2_1-.Ltmp1, $4  }
0x7a: {  	[sflag:s14] =	ssyncadd.s32 $0xFFFFE000  }
0x7b: {  	_ =	swait.ge [sflag:s14], $0x2000  }
0x7c: {  	[sflag:s14] =	ssyncset.done $0x0  }
0x7d: {  	[sflag:s14] =	ssyncadd.s32 $0xFFFFE000  }
0x7e: {  	_ =	sfence.sel $0x180000  }
0x7f: {  	[bflag:$0x0] =	sbarrier.arrive $0xFFFF  }
0x80: {  	p0 =	sne.s32 s1, $0x0;
	_ =	strace $0x9000004A  }
0x81: {  	s0 =	sadd.s32 @!p0 $0x100000, s0;
	[bflag:$0x2] =	sbarrier.arrive $0xFFFF  }
0x82: {  	[sflag:s0] =	ssyncadd.tile.s32 @!p0 $0x1;
	_ =	shalt  }
.Lfunc_end2:
_tile_overlayer_lowered:
.L_overlay_start_2:
0x83: {  	(tag) =	ssettag $0x2  }
0x84: {  	s0 =	rddreg [dreg:$0x0];
	s2 =	stileid.u32  }
0x85: {  	s1 =	rddreg [dreg:$0x1];
	p0 =	sne.s32 s2, $0x0  }
0x86: {  	s3 =	rddreg [dreg:$0x2];
	[bflag:$0x3] =	sbarrier.arrive $0xFFFF;
	s2 =	simm.s32 @!p0 $0x1C03  }
0x87: {  	[timem:s3], [sflag:s2] =	dma.local @!p0 [hbm:s0], s1  }
0x88: {  	s0 =	simm.s32 @!p0 $0x3  }
0x89: {  	_ =	swait.ge @!p0 [sflag:s0], s1  }
0x8a: {  	s1 =	ssub.s32 @!p0 $0x0, s1;
	[sflag:s0] =	ssyncset.done @!p0 $0x0  }
0x8b: {  	[sflag:s0] =	ssyncadd.s32 @!p0 s1  }
0x8c: {  	[bflag:$0x3] =	sbarrier.arrive $0xFFFF  }
0x8d: {  	_ =	shalt  }

// kernel: kernel.7.cloned.1.call-start
scs
__scs_entry_jumppad:
0x0: {  	(pc) =	sbr.rel $0x88, $3  }
0x1: {  	(tag) =	ssettag $0x0;
	lr =	simm.s32 $0x1  }
0x2: {  	[smem:$0x3F9F] =	sst lr;
	_ =	strace $0xD0000000  }
0x3: {  	_ = 	snop  }
0x4: {  	_ = 	snop  }
0x5: {  	_ = 	snop  }
0x6: {  	_ = 	snop  }
0x7: {  	_ = 	snop  }
__scs_overlays_trampoline_lowered:
0x8: {  	[smem:$0x3FAE] =	sst s0  }
0x9: {  	[smem:$0x3FAF] =	sst s1  }
0xa: {  	[smem:$0x3FB0] =	sst s2  }
0xb: {  	[smem:$0x3FB1] =	sst s3  }
0xc: {  	[smem:$0x3FB2] =	sst s4  }
0xd: {  	[smem:$0x3FB3] =	sst s5  }
0xe: {  	[smem:$0x3FB4] =	sst s6  }
0xf: {  	[smem:$0x3FB5] =	sst s7  }
0x10: {  	[smem:$0x3FB6] =	sst s8  }
0x11: {  	[smem:$0x3FB7] =	sst s9;
	s0 =	simm.s32 @!p0 $0x0  }
0x12: {  	s1 =	sld [smem:$0x3F9D];
	s0 =	simm.s32 @p0 $0x1  }
0x13: {  	[smem:$0x3FB8] =	sst s0;
	s0 =	simm.s32 @!p1 $0x0  }
0x14: {  	s2 =	sld [smem:$0x3F9C];
	s0 =	simm.s32 @p1 $0x1  }
0x15: {  	[smem:$0x3FB9] =	sst s0;
	s0 =	simm.s32 @!p2 $0x0  }
0x16: {  	s3 =	sld [smem:$0x3FDB];
	s0 =	simm.s32 @p2 $0x1  }
0x17: {  	s4 =	simm.s32 $0x1BF5;
	[smem:$0x3FBB] =	sst s0  }
0x18: {  	s0 =	sld [smem:$0x3F9E];
	_ =	swait.ge [sflag:s4], $0x0  }
0x19: {  	s7 =	sld [smem:$0x3F9F]  }
0x1a: {  	s8 =	sadd.s32 $0xFFFFE003, lr  }
0x1b: {  	s9 =	sadd.s32 $0xFFFFFEF7, lr;
	s5 =	simm.s32 $0xFFFFFFFF;
	p2 =	slt.u32 s8, $0xFFFFF086  }
0x1c: {  	p1 =	slt.u32 s9, $0xF7A;
	s5 =	simm.s32 @!p2 $0x0  }
0x1d: {  	s5 =	simm.s32 @p1 $0x1;
	p0 =	seq.s32 s7, s2  }
0x1e: {  	s7 =	smul.u32 @!p0 $0xF7A, s2;
	p2 =	seq.s32 @!p0 s5, $0x0  }
0x1f: {  	s9 =	smul.u32 $0xF7A, s1;
	s8 =	simm.s32 @!p0 $0x1BF5;
	p2 =	por !p2, p0  }
0x20: {  	[sflag:s8] =	ssyncset.s32 @!p0 $0xFFFFF086;
	s6 =	sadd.s32 @!p0 s3, s7;
	s7 =	simm.s32 @!p0 $0x108  }
0x21: {  	s3 =	sadd.s32 s3, s9;
	s6 =	sadd.s32 @!p0 $0x88, s6;
	s7 =	simm.s32 @p2 $0x1082  }
0x22: {  	[simem:s7], [sflag:s8] =	dma.local @!p0 [hbm:s6], $0xF7A  }
0x23: {  	s9 =	sor.u32 $0xD0000000, s2;
	s6 =	simm.s32 $0x108;
	_ =	swait.ge @!p0 [sflag:s8], $0x0  }
0x24: {  	s3 =	sadd.s32 $0x88, s3;
	s6 =	simm.s32 @!p1 $0x1082;
	[sflag:s4] =	ssyncset.s32 $0xFFFFF086  }
0x25: {  	[simem:s6], [sflag:s4] =	dma.local [hbm:s3], $0xF7A  }
0x26: {  	[smem:$0x3F9F] =	sst s1;
	(tag) =	ssettag s2;
	_ =	strace s9  }
0x27: {  	s1 =	sld [smem:$0x3FAF]  }
0x28: {  	s2 =	sld [smem:$0x3FB0]  }
0x29: {  	s4 =	sld [smem:$0x3FB2]  }
0x2a: {  	p0 =	seq.s32 s5, $0x0;
	s5 =	sld [smem:$0x3FB3]  }
0x2b: {  	s6 =	sld [smem:$0x3FB4]  }
0x2c: {  	s7 =	sld [smem:$0x3FB5]  }
0x2d: {  	s3 =	simm.s32 $0x108;
	s8 =	sld [smem:$0x3FB6]  }
0x2e: {  	s3 =	simm.s32 @!p0 $0x1082;
	s9 =	sld [smem:$0x3FB7]  }
0x2f: {  	lr =	sadd.s32 s0, s3;
	s0 =	sld [smem:$0x3FAE]  }
0x30: {  	s3 =	sld [smem:$0x3FB1]  }
0x31: {  	[smem:$0x3FBA] =	sst s10  }
0x32: {  	s10 =	sld [smem:$0x3FB8];
	_ =	sdelay $0x3  }
0x33: {  	p0 =	seq.s32 s10, $0x1;
	s10 =	sld [smem:$0x3FBA];
	_ =	sdelay $0x3  }
0x34: {  	[smem:$0x3FBA] =	sst s10  }
0x35: {  	s10 =	sld [smem:$0x3FB9];
	_ =	sdelay $0x3  }
0x36: {  	p1 =	seq.s32 s10, $0x1;
	s10 =	sld [smem:$0x3FBA];
	_ =	sdelay $0x3  }
0x37: {  	[smem:$0x3FBA] =	sst s10  }
0x38: {  	s10 =	sld [smem:$0x3FBB]  }
0x39: {  	_ = 	snop;
	(pc) =	sbr.ind lr, $3  }
0x3a: {  	_ = 	snop  }
0x3b: {  	_ = 	snop  }
0x3c: {  	p2 =	seq.s32 s10, $0x1;
	s10 =	sld [smem:$0x3FBA]  }
0x3d: {  	_ =	shalt  }
0x3e: {  	_ =	shalt  }
0x3f: {  	_ =	shalt  }
0x40: {  	_ =	shalt  }
0x41: {  	_ =	shalt  }
0x42: {  	_ =	shalt  }
0x43: {  	_ =	shalt  }
0x44: {  	_ =	shalt  }
0x45: {  	_ =	shalt  }
0x46: {  	_ =	shalt  }
0x47: {  	_ =	shalt  }
0x48: {  	_ =	shalt  }
0x49: {  	_ =	shalt  }
0x4a: {  	_ =	shalt  }
0x4b: {  	_ =	shalt  }
0x4c: {  	_ =	shalt  }
0x4d: {  	_ =	shalt  }
0x4e: {  	_ =	shalt  }
0x4f: {  	_ =	shalt  }
0x50: {  	_ =	shalt  }
0x51: {  	_ =	shalt  }
0x52: {  	_ =	shalt  }
0x53: {  	_ =	shalt  }
0x54: {  	_ =	shalt  }
0x55: {  	_ =	shalt  }
0x56: {  	_ =	shalt  }
0x57: {  	_ =	shalt  }
0x58: {  	_ =	shalt  }
0x59: {  	_ =	shalt  }
0x5a: {  	_ =	shalt  }
0x5b: {  	_ =	shalt  }
0x5c: {  	_ =	shalt  }
0x5d: {  	_ =	shalt  }
0x5e: {  	_ =	shalt  }
0x5f: {  	_ =	shalt  }
0x60: {  	_ =	shalt  }
0x61: {  	_ =	shalt  }
0x62: {  	_ =	shalt  }
0x63: {  	_ =	shalt  }
0x64: {  	_ =	shalt  }
0x65: {  	_ =	shalt  }
0x66: {  	_ =	shalt  }
0x67: {  	_ =	shalt  }
0x68: {  	_ =	shalt  }
0x69: {  	_ =	shalt  }
0x6a: {  	_ =	shalt  }
0x6b: {  	_ =	shalt  }
0x6c: {  	_ =	shalt  }
0x6d: {  	_ =	shalt  }
0x6e: {  	_ =	shalt  }
0x6f: {  	_ =	shalt  }
0x70: {  	_ =	shalt  }
0x71: {  	_ =	shalt  }
0x72: {  	_ =	shalt  }
0x73: {  	_ =	shalt  }
0x74: {  	_ =	shalt  }
0x75: {  	_ =	shalt  }
0x76: {  	_ =	shalt  }
0x77: {  	_ =	shalt  }
0x78: {  	_ =	shalt  }
0x79: {  	_ =	shalt  }
0x7a: {  	_ =	shalt  }
0x7b: {  	_ =	shalt  }
0x7c: {  	_ =	shalt  }
0x7d: {  	_ =	shalt  }
0x7e: {  	_ =	shalt  }
0x7f: {  	_ =	shalt  }
0x80: {  	_ =	shalt  }
0x81: {  	_ =	shalt  }
0x82: {  	_ =	shalt  }
0x83: {  	_ =	shalt  }
0x84: {  	_ =	shalt  }
0x85: {  	_ =	shalt  }
0x86: {  	_ =	shalt  }
0x87: {  	_ =	shalt  }
.Lfunc_end0:
.L_simem_size_0:
called_computation.2_lowered:
.L_overlay_start_0:
0x88: {  	s2 =	sld [smem:$0x3FD9]  }
0x89: {  	s3 =	sld [smem:$0x3FFE];
	_ =	sdelay $0x1  }
0x8a: {  	s1 =	srdreg.scid  }
0x8b: {  	s0 =	sand.u32 $0x1, s1  }
0x8c: {  	s17 =	sshll.u32 s0, $0xA;
	s2 =	sadd.s32 s3, s2  }
0x8d: {  	s2 =	sadd.s32 s2, s17  }
0x8e: {  	[smem:$0x3FC6] =	sst s2  }
0x8f: {  	_ = 	snop  }
0x90: {  	s2 =	sld [smem:$0x3FD0];
	(tm) =	ssettm $0x1  }
0x91: {  	s18 =	sld [smem:$0x3FFB];
	_ =	sdelay $0x3  }
0x92: {  	_ =	strace s18  }
0x93: {  	s3 =	sld [smem:$0x3FFC];
	_ =	sdelay $0x3  }
0x94: {  	_ =	strace s3  }
0x95: {  	s3 =	sld [smem:$0x3FFD];
	_ =	sdelay $0x3  }
0x96: {  	_ =	strace s3  }
0x97: {  	_ =	strace $0x8FFFFFFF  }
0x98: {  	s19 =	sld [smem:$0x3FDB];
	_ =	sdelay $0x1  }
0x99: {  	s4 =	simm.s32 $_scs_section_size  }
0x9a: {  	s5 =	simm.s32 $_size__tile_overlayer_lowered;
	s6 =	simm.s32 $_tile_overlayer_lowered  }
0x9b: {  	s22 =	simm.s32 $0x1BFF;
	s21 =	sshll.u32 s6, $0x1;
	s3 =	sadd.s32 s4, s19  }
0x9c: {  	s7 =	simm.s32 $0x0;
	s20 =	sshll.u32 s5, $0x1;
	s5 =	sadd.s32 s21, s3  }
0x9d: {  	[timem:s7], [sflag:s22] =	dma.local [hbm:s5], s20  }
0x9e: {  	_ =	swait.ge [sflag:s22], s20  }
0x9f: {  	s4 =	ssub.s32 $0x0, s20;
	[sflag:s22] =	ssyncset.done $0x0  }
0xa0: {  	[sflag:s22] =	ssyncadd.s32 s4;
	_ =	sdelay $0x1  }
0xa1: {  	s23 =	simm.s32 $0x1B8B  }
0xa2: {  	_ =	swait.ge [sflag:s23], $0x1  }
0xa3: {  	[sflag:s23] =	ssyncset.done $0x0  }
0xa4: {  	s25 =	simm.s32 $0x1B8E;
	s24 =	sld [smem:$0x3FFE];
	[sflag:s23] =	ssyncadd.s32 $0xFFFFFFFF  }
0xa5: {  	s26 =	simm.s32 $execute0_lowered;
	[smem:$0x3FD2] =	sst s25  }
0xa6: {  	s5 =	sshll.u32 s26, $0x1;
	_ =	strace $0x80000046;
	[dreg:$0x1] =	wrdreg $0xFFFFFFFF  }
0xa7: {  	s28 =	simm.s32 $_size_execute0_lowered;
	s3 =	sadd.s32 s3, s5;
	[dreg:$0x0] =	wrdreg $0x0  }
0xa8: {  	s5 =	sshll.u32 s28, $0x1;
	[dreg:$0x2] =	wrdreg s3  }
0xa9: {  	[dreg:$0x3] =	wrdreg s5  }
0xaa: {  	[dreg:$0x4] =	wrdreg $0xC0  }
0xab: {  	_ =	task [dreg:s7], $0x5FFFF  }
0xac: {  	[dreg:$0x1] =	wrdreg $0xFFFFFFFF  }
0xad: {  	[dreg:$0x0] =	wrdreg $0x60  }
0xae: {  	[dreg:$0x2] =	wrdreg s24  }
0xaf: {  	[dreg:$0x3] =	wrdreg s2  }
0xb0: {  	[dreg:$0x4] =	wrdreg $0xA  }
0xb1: {  	_ =	task.clear_ibuf [dreg:s7], $0x5FFFF;
	_ =	strace $0x90000046  }
0xb2: {  	s29 =	simm.s32 $0xA;
	_ =	strace $0x80000048  }
0xb3: {  	_ =	swait.ge [sflag:s29], $0x1  }
0xb4: {  	[sflag:s29] =	ssyncadd.s32 $0xFFFFFFFF  }
0xb5: {  	_ =	strace $0x90000048  }
0xb6: {  	_ =	sfence  }
0xb7: {  	s30 =	sld [smem:$0x0];
	_ =	sdelay $0x2  }
0xb8: {  	s31 =	sshll.u32 s1, $0xD;
	s1 =	sshrl.u32 s1, $0x2  }
0xb9: {  	s3 =	sand.u32 $0x4000, s31;
	s1 =	sadd.s32 s1, s30  }
0xba: {  	s0 =	sor.u32 s3, s0;
	s1 =	sshll.u32 s1, $0x11  }
0xbb: {  	s0 =	sor.u32 s1, s0  }
0xbc: {  	s0 =	sadd.s32 $0x8F2B, s0  }
0xbd: {  	[sflag:s0] =	ssyncadd.remote.s32 $0x1  }
0xbe: {  	_ =	sfence.sel $0xFFFF  }
0xbf: {  	[dreg:$0x0] =	wrdreg $0xFFFFFFFF;
	(pc) =	sbr.abs _section_cstart, $3  }
0xc0: {  	[dreg:$0x1] =	wrdreg $0xFFFFFFFF  }
0xc1: {  	_ =	task.clear_ibuf [dreg:s7], $0x2FFFF;
	_ =	strace $0x9FFFFFFF  }
0xc2: {  	(tm) =	ssettm $0x7FFFFFFF  }
0xc3: {  	_ =	shalt  }
tec
execute0_lowered:
.L_overlay_start_1:
0x0: {  	(tag) =	ssettag $0x1  }
0x1: {  	s3 =	rddreg [dreg:$0x0]  }
0x2: {  	s4 =	rddreg [dreg:$0x1]  }
0x3: {  	s0 =	rddreg [dreg:$0x2]  }
0x4: {  	s2 =	simm.s32 $0x0;
	s5 =	srdreg.scid;
	s1 =	stileid.u32  }
0x5: {  	s10 =	simm.s32 $0x3600;
	s11 =	simm.s32 $0x1;
	s12 =	simm.s32 $0x4800  }
0x6: {  	s13 =	simm.s32 $0x5A00;
	s14 =	simm.s32 $0x2;
	s15 =	simm.s32 $0x0  }
0x7: {  	[smem:$0x7FF] =	sst s2;
	s5 =	sand.u32 $0x1, s5;
	s6 =	smul.u32 $0x24000, s1  }
0x8: {  	s7 =	sshll.u32 s1, $0x8;
	_ =	strace $0x80000047;
	s8 =	sshll.u32 s5, $0x7  }
0x9: {  	s9 =	ssub.s32 $0x2, s5;
	s5 =	smul.u32 $0x12000, s5;
	s7 =	sor.u32 s8, s7  }
0xa: {  	s6 =	sadd.s32 s6, s3;
	s31 =	sshrl.u32 s9, $0x1;
	s3 =	sadd.s32 $0xF43400, s3  }
0xb: {  	s7 =	smul.u32 $0x9, s7;
	s8 =	ssub.s32 s9, s31;
	s6 =	sadd.s32 s5, s6  }
0xc: {  	s9 =	simm.s32 $0x2400;
	s5 =	smax.u32 s8, $0x1;
	s6 =	sadd.s32 $0x1000, s6  }
0xd: {  	s8 =	simm.s32 $0x48;
	s4 =	sadd.s32 s4, s7;
	s7 =	simm.s32 $0x3  }
.LBB2_1:
0xe: {  	[tilespmem:s2], [sflag:$0x3] =	stream.linear.gather [hbm4b:s4+s2], $0x2400, $0x38;
	[tilespmem:$0x6C00] =	vst v63  }
0xf: {  	p0 =	por $0x1, $0x1;
	_ =	swait.ge [sflag:s7], $0x2400  }
0x10: {  	p0 =	por p0, p0;
	[sflag:s7] =	ssyncset.done $0x0  }
0x11: {  	s16 =	simm.s32 @!p0 $0x2;
	[sflag:s7] =	ssyncadd.s32 $0xFFFFDC00  }
0x12: {  	[tilespmem:s9], [sflag:$0x1] =	stream.indirect.gather [hbm4b:s3+s8], $0x40, s2, s8, $0xb8;
	[tilespmem:$0x6C00] =	vst v63  }
0x13: {  	_ =	swait.ge @!p0 [sflag:s16], $0x1200  }
0x14: {  	[sflag:s16] =	ssyncset.done @!p0 $0x0  }
0x15: {  	s17 =	simm.s32 $0x48;
	[sflag:s16] =	ssyncadd.s32 @!p0 $0xFFFFEE00  }
0x16: {  	[tilespmem:s10], [sflag:$0x1] =	stream.indirect.gather [hbm4b:s3+s8], $0x40, s17, s8, $0xb8;
	[tilespmem:$0x6C00] =	vst v63  }
0x17: {  	_ =	swait.ge [sflag:s11], $0x1200  }
0x18: {  	[sflag:s11] =	ssyncset.done $0x0  }
0x19: {  	[sflag:s11] =	ssyncadd.s32 $0xFFFFEE00  }
0x1a: {  	[hbm4b:s6+s2] =	stream.linear.scatter [tilespmem:s9], [sflag:$0x2], $0x1200, $0x38;
	[tilespmem:$0x6C00] =	vst v63  }
0x1b: {  	_ =	swait.ge @!p0 [sflag:s16], $0x1200  }
0x1c: {  	[sflag:s16] =	ssyncset.done @!p0 $0x0  }
0x1d: {  	s28 =	simm.s32 $0x90;
	[sflag:s16] =	ssyncadd.s32 @!p0 $0xFFFFEE00  }
0x1e: {  	[tilespmem:s12], [sflag:$0x1] =	stream.indirect.gather [hbm4b:s3+s8], $0x40, s28, s8, $0xb8;
	[tilespmem:$0x6C00] =	vst v63  }
0x1f: {  	_ =	swait.ge [sflag:s11], $0x1200  }
0x20: {  	[sflag:s11] =	ssyncset.done $0x0  }
0x21: {  	s29 =	sadd.s32 $0x240, s6;
	[sflag:s11] =	ssyncadd.s32 $0xFFFFEE00  }
0x22: {  	[hbm4b:s29+s2] =	stream.linear.scatter [tilespmem:s10], [sflag:$0x2], $0x1200, $0x38;
	[tilespmem:$0x6C00] =	vst v63  }
0x23: {  	_ =	swait.ge @!p0 [sflag:s16], $0x1200  }
0x24: {  	[sflag:s16] =	ssyncset.done @!p0 $0x0  }
0x25: {  	s30 =	simm.s32 $0xD8;
	[sflag:s16] =	ssyncadd.s32 @!p0 $0xFFFFEE00  }
0x26: {  	[tilespmem:s13], [sflag:$0x1] =	stream.indirect.gather [hbm4b:s3+s8], $0x40, s30, s8, $0xb8;
	[tilespmem:$0x6C00] =	vst v63  }
0x27: {  	_ =	swait.ge [sflag:s11], $0x1200  }
0x28: {  	[sflag:s11] =	ssyncset.done $0x0  }
0x29: {  	s31 =	sadd.s32 $0x480, s6;
	[sflag:s11] =	ssyncadd.s32 $0xFFFFEE00  }
0x2a: {  	[hbm4b:s31+s2] =	stream.linear.scatter [tilespmem:s12], [sflag:$0x2], $0x1200, $0x38;
	[tilespmem:$0x6C00] =	vst v63  }
0x2b: {  	p0 =	por $0x0, $0x0;
	_ =	swait.ge [sflag:s14], $0x1200  }
0x2c: {  	s16 =	simm.s32 @!p0 $0x2400;
	[sflag:s14] =	ssyncset.done $0x0  }
0x2d: {  	s17 =	simm.s32 @!p0 $0x120;
	s18 =	simm.s32 @!p0 $0x48;
	[sflag:s14] =	ssyncadd.s32 $0xFFFFEE00  }
0x2e: {  	[tilespmem:s16], [sflag:$0x1] =	stream.indirect.gather @!p0 [hbm4b:s3+s18], $0x40, s17, s18, $0xb8;
	[tilespmem:$0x6C00] =	vst v63  }
0x2f: {  	p6 =	por $0x0, $0x0;
	s19 =	sadd.s32 $0x6C0, s6;
	_ =	swait.ge [sflag:s11], $0x1200  }
0x30: {  	s17 =	simm.s32 $0x480;
	s18 =	simm.s32 $0x900;
	[sflag:s11] =	ssyncset.done $0x0  }
0x31: {  	p0 =	por p6, p6;
	s16 =	sadd.s32 $0x900, s6;
	[sflag:s11] =	ssyncadd.s32 $0xFFFFEE00  }
.LBB2_2:
0x32: {  	[hbm4b:s19+s2] =	stream.linear.scatter [tilespmem:s13], [sflag:$0x2], $0x1200, $0x38;
	[tilespmem:$0x6C00] =	vst v63  }
0x33: {  	s19 =	smov.u32 s18  }
0x34: {  	s18 =	sadd.s32 $0x480, s18;
	s20 =	simm.s32 @!p0 $0x2;
	p2 =	seq.s32 s19, $0x0  }
0x35: {  	p1 =	sne.s32 s18, $0x9000;
	_ =	swait.ge @!p0 [sflag:s20], $0x1200  }
0x36: {  	s21 =	sshra.s32 s17, $0x2;
	[sflag:s20] =	ssyncset.done @!p0 $0x0  }
0x37: {  	s22 =	sadd.s32 $0x48, s21;
	[sflag:s20] =	ssyncadd.s32 @!p0 $0xFFFFEE00  }
0x38: {  	[tilespmem:s10], [sflag:$0x1] =	stream.indirect.gather [hbm4b:s3+s8], $0x40, s22, s8, $0xb8;
	[tilespmem:$0x6C00] =	vst v63  }
0x39: {  	_ =	swait.ge [sflag:s11], $0x1200  }
0x3a: {  	[sflag:s11] =	ssyncset.done $0x0  }
0x3b: {  	[sflag:s11] =	ssyncadd.s32 $0xFFFFEE00  }
0x3c: {  	[hbm4b:s16+s2] =	stream.linear.scatter [tilespmem:s9], [sflag:$0x2], $0x1200, $0x38;
	[tilespmem:$0x6C00] =	vst v63  }
0x3d: {  	_ =	swait.ge @!p0 [sflag:s20], $0x1200  }
0x3e: {  	[sflag:s20] =	ssyncset.done @!p0 $0x0  }
0x3f: {  	s22 =	sadd.s32 $0x90, s21;
	[sflag:s20] =	ssyncadd.s32 @!p0 $0xFFFFEE00  }
0x40: {  	[tilespmem:s12], [sflag:$0x1] =	stream.indirect.gather [hbm4b:s3+s8], $0x40, s22, s8, $0xb8;
	[tilespmem:$0x6C00] =	vst v63  }
0x41: {  	_ =	swait.ge [sflag:s11], $0x1200  }
0x42: {  	[sflag:s11] =	ssyncset.done $0x0  }
0x43: {  	s22 =	sadd.s32 $0x240, s16;
	[sflag:s11] =	ssyncadd.s32 $0xFFFFEE00  }
0x44: {  	[hbm4b:s22+s2] =	stream.linear.scatter [tilespmem:s10], [sflag:$0x2], $0x1200, $0x38;
	[tilespmem:$0x6C00] =	vst v63  }
0x45: {  	_ =	swait.ge @!p0 [sflag:s20], $0x1200  }
0x46: {  	[sflag:s20] =	ssyncset.done @!p0 $0x0  }
0x47: {  	[sflag:s20] =	ssyncadd.s32 @!p0 $0xFFFFEE00;
	s20 =	sadd.s32 $0xD8, s21;
	p0 =	por p2, p2  }
0x48: {  	[tilespmem:s13], [sflag:$0x1] =	stream.indirect.gather [hbm4b:s3+s8], $0x40, s20, s8, $0xb8;
	[tilespmem:$0x6C00] =	vst v63  }
0x49: {  	_ =	swait.ge [sflag:s11], $0x1200  }
0x4a: {  	[sflag:s11] =	ssyncset.done $0x0  }
0x4b: {  	p2 =	seq.s32 s17, $0x8B80;
	s20 =	sadd.s32 $0x480, s16;
	[sflag:s11] =	ssyncadd.s32 $0xFFFFEE00  }
0x4c: {  	[hbm4b:s20+s2] =	stream.linear.scatter [tilespmem:s12], [sflag:$0x2], $0x1200, $0x38;
	[tilespmem:$0x6C00] =	vst v63  }
0x4d: {  	s17 =	sshra.s32 @!p2 s17, $0x2;
	_ =	swait.ge [sflag:s14], $0x1200  }
0x4e: {  	s21 =	simm.s32 @!p2 $0x48;
	s20 =	simm.s32 @!p2 $0x2400;
	[sflag:s14] =	ssyncset.done $0x0  }
.Ltmp0:
0x4f: {  	s17 =	sadd.s32 @!p2 $0x120, s17;
	[sflag:s14] =	ssyncadd.s32 $0xFFFFEE00;
	(pc) =	sbr.rel @p1 .LBB2_2-.Ltmp0, $4  }
0x50: {  	[tilespmem:s20], [sflag:$0x1] =	stream.indirect.gather @!p2 [hbm4b:s3+s21], $0x40, s17, s21, $0xb8;
	[tilespmem:$0x6C00] =	vst v63  }
0x51: {  	s17 =	smov.u32 s19;
	_ =	swait.ge [sflag:s11], $0x1200  }
0x52: {  	[sflag:s11] =	ssyncset.done $0x0  }
0x53: {  	s19 =	sadd.s32 $0x6C0, s16;
	s16 =	sadd.s32 $0x900, s16;
	[sflag:s11] =	ssyncadd.s32 $0xFFFFEE00  }
0x54: {  	[hbm4b:s19+s2] =	stream.linear.scatter [tilespmem:s13], [sflag:$0x2], $0x1200, $0x38;
	[tilespmem:$0x6C00] =	vst v63  }
0x55: {  	s18 =	simm.s32 @!p0 $0x2  }
0x56: {  	_ =	swait.ge @!p0 [sflag:s18], $0x1200  }
0x57: {  	s25 =	sshra.s32 s17, $0x2;
	[sflag:s18] =	ssyncset.done @!p0 $0x0  }
0x58: {  	s20 =	sadd.s32 $0x48, s25;
	[sflag:s18] =	ssyncadd.s32 @!p0 $0xFFFFEE00  }
0x59: {  	[tilespmem:s10], [sflag:$0x1] =	stream.indirect.gather [hbm4b:s3+s8], $0x40, s20, s8, $0xb8;
	[tilespmem:$0x6C00] =	vst v63  }
0x5a: {  	_ =	swait.ge [sflag:s11], $0x1200  }
0x5b: {  	[sflag:s11] =	ssyncset.done $0x0  }
0x5c: {  	[sflag:s11] =	ssyncadd.s32 $0xFFFFEE00  }
0x5d: {  	[hbm4b:s16+s2] =	stream.linear.scatter [tilespmem:s9], [sflag:$0x2], $0x1200, $0x38;
	[tilespmem:$0x6C00] =	vst v63  }
0x5e: {  	_ =	swait.ge @!p0 [sflag:s18], $0x1200  }
0x5f: {  	[sflag:s18] =	ssyncset.done @!p0 $0x0  }
0x60: {  	s26 =	sadd.s32 $0x90, s25;
	[sflag:s18] =	ssyncadd.s32 @!p0 $0xFFFFEE00  }
0x61: {  	[tilespmem:s12], [sflag:$0x1] =	stream.indirect.gather [hbm4b:s3+s8], $0x40, s26, s8, $0xb8;
	[tilespmem:$0x6C00] =	vst v63  }
0x62: {  	_ =	swait.ge [sflag:s11], $0x1200  }
0x63: {  	[sflag:s11] =	ssyncset.done $0x0  }
0x64: {  	s28 =	sadd.s32 $0x240, s16;
	[sflag:s11] =	ssyncadd.s32 $0xFFFFEE00  }
0x65: {  	[hbm4b:s28+s2] =	stream.linear.scatter [tilespmem:s10], [sflag:$0x2], $0x1200, $0x38;
	[tilespmem:$0x6C00] =	vst v63  }
0x66: {  	_ =	swait.ge @!p0 [sflag:s18], $0x1200  }
0x67: {  	[sflag:s18] =	ssyncset.done @!p0 $0x0  }
0x68: {  	s29 =	sadd.s32 $0xD8, s25;
	[sflag:s18] =	ssyncadd.s32 @!p0 $0xFFFFEE00  }
0x69: {  	[tilespmem:s13], [sflag:$0x1] =	stream.indirect.gather [hbm4b:s3+s8], $0x40, s29, s8, $0xb8;
	[tilespmem:$0x6C00] =	vst v63  }
0x6a: {  	_ =	swait.ge [sflag:s11], $0x1200  }
0x6b: {  	[sflag:s11] =	ssyncset.done $0x0  }
0x6c: {  	s30 =	sadd.s32 $0x480, s16;
	[sflag:s11] =	ssyncadd.s32 $0xFFFFEE00  }
0x6d: {  	[hbm4b:s30+s2] =	stream.linear.scatter [tilespmem:s12], [sflag:$0x2], $0x1200, $0x38;
	[tilespmem:$0x6C00] =	vst v63  }
0x6e: {  	p0 =	seq.s32 s17, $0x8B80;
	_ =	swait.ge [sflag:s14], $0x1200  }
0x6f: {  	s17 =	sshra.s32 @!p0 s17, $0x2;
	s18 =	simm.s32 @!p0 $0x2400;
	[sflag:s14] =	ssyncset.done $0x0  }
0x70: {  	s19 =	simm.s32 @!p0 $0x48;
	s17 =	sadd.s32 @!p0 $0x120, s17;
	[sflag:s14] =	ssyncadd.s32 $0xFFFFEE00  }
0x71: {  	[tilespmem:s18], [sflag:$0x1] =	stream.indirect.gather @!p0 [hbm4b:s3+s19], $0x40, s17, s19, $0xb8;
	[tilespmem:$0x6C00] =	vst v63  }
0x72: {  	_ =	swait.ge [sflag:s11], $0x1200  }
0x73: {  	[sflag:s11] =	ssyncset.done $0x0  }
0x74: {  	s31 =	sadd.s32 $0x6C0, s16;
	[sflag:s11] =	ssyncadd.s32 $0xFFFFEE00  }
0x75: {  	[hbm4b:s31+s2] =	stream.linear.scatter [tilespmem:s13], [sflag:$0x2], $0x1200, $0x38;
	[tilespmem:$0x6C00] =	vst v63  }
0x76: {  	_ =	swait.ge [sflag:s14], $0x1200  }
0x77: {  	[sflag:s14] =	ssyncset.done $0x0  }
0x78: {  	s15 =	sadd.s32 $0x1, s15;
	[sflag:s14] =	ssyncadd.s32 $0xFFFFEE00  }
0x79: {  	p0 =	sne.s32 s15, s5;
	_ =	swait.ge [sflag:s14], $0x1200  }
.Ltmp1:
0x7a: {  	[sflag:s14] =	ssyncset.done $0x0;
	(pc) =	sbr.rel @p0 .LBB2_1-.Ltmp1, $4  }
0x7b: {  	[sflag:s14] =	ssyncadd.s32 $0xFFFFEE00  }
0x7c: {  	_ =	swait.ge [sflag:s14], $0x1200  }
0x7d: {  	[sflag:s14] =	ssyncset.done $0x0  }
0x7e: {  	[sflag:s14] =	ssyncadd.s32 $0xFFFFEE00  }
0x7f: {  	_ =	sfence.sel $0x180000  }
0x80: {  	[bflag:$0x0] =	sbarrier.arrive $0xFFFF  }
0x81: {  	p0 =	sne.s32 s1, $0x0;
	_ =	strace $0x90000047  }
0x82: {  	s0 =	sadd.s32 @!p0 $0x100000, s0;
	[bflag:$0x2] =	sbarrier.arrive $0xFFFF  }
0x83: {  	[sflag:s0] =	ssyncadd.tile.s32 @!p0 $0x1;
	_ =	shalt  }
.Lfunc_end2:
_tile_overlayer_lowered:
.L_overlay_start_2:
0x84: {  	(tag) =	ssettag $0x2  }
0x85: {  	s0 =	rddreg [dreg:$0x0];
	s2 =	stileid.u32  }
0x86: {  	s1 =	rddreg [dreg:$0x1];
	p0 =	sne.s32 s2, $0x0  }
0x87: {  	s3 =	rddreg [dreg:$0x2];
	[bflag:$0x3] =	sbarrier.arrive $0xFFFF;
	s2 =	simm.s32 @!p0 $0x1C03  }
0x88: {  	[timem:s3], [sflag:s2] =	dma.local @!p0 [hbm:s0], s1  }
0x89: {  	s0 =	simm.s32 @!p0 $0x3  }
0x8a: {  	_ =	swait.ge @!p0 [sflag:s0], s1  }
0x8b: {  	s1 =	ssub.s32 @!p0 $0x0, s1;
	[sflag:s0] =	ssyncset.done @!p0 $0x0  }
0x8c: {  	[sflag:s0] =	ssyncadd.s32 @!p0 s1  }
0x8d: {  	[bflag:$0x3] =	sbarrier.arrive $0xFFFF  }
0x8e: {  	_ =	shalt  }

// kernel: sparse-core-data-format-call.cloned.1.call-start
scs
called_computation_lowered:
.L_overlay_start_0:
0x0: {  	s2 =	sld [smem:$0x3FD9]  }
0x1: {  	s3 =	sld [smem:$0x3FFE];
	_ =	sdelay $0x1  }
0x2: {  	s1 =	srdreg.scid  }
0x3: {  	s0 =	sand.u32 $0x1, s1  }
0x4: {  	s18 =	sshll.u32 s0, $0xA;
	s2 =	sadd.s32 s3, s2  }
0x5: {  	s2 =	sadd.s32 s2, s18  }
0x6: {  	[smem:$0x3FC6] =	sst s2  }
0x7: {  	_ = 	snop  }
0x8: {  	s2 =	sld [smem:$0x3FD0];
	(tm) =	ssettm $0x1  }
0x9: {  	s19 =	sld [smem:$0x3FFB];
	_ =	sdelay $0x3  }
0xa: {  	_ =	strace s19  }
0xb: {  	s3 =	sld [smem:$0x3FFC];
	_ =	sdelay $0x3  }
0xc: {  	_ =	strace s3  }
0xd: {  	s3 =	sld [smem:$0x3FFD];
	_ =	sdelay $0x3  }
0xe: {  	_ =	strace s3  }
0xf: {  	_ =	strace $0x8FFFFFFF  }
0x10: {  	s20 =	sld [smem:$0x3FDB];
	_ =	sdelay $0x1  }
0x11: {  	s4 =	simm.s32 $_scs_section_size  }
0x12: {  	s5 =	simm.s32 $_size__tile_overlayer_lowered;
	s6 =	simm.s32 $_tile_overlayer_lowered  }
0x13: {  	s23 =	simm.s32 $0x1BFF;
	s22 =	sshll.u32 s6, $0x1;
	s3 =	sadd.s32 s4, s20  }
0x14: {  	s7 =	simm.s32 $0x0;
	s21 =	sshll.u32 s5, $0x1;
	s5 =	sadd.s32 s22, s3  }
0x15: {  	[timem:s7], [sflag:s23] =	dma.local [hbm:s5], s21  }
0x16: {  	_ =	swait.ge [sflag:s23], s21  }
0x17: {  	s4 =	ssub.s32 $0x0, s21;
	[sflag:s23] =	ssyncset.done $0x0  }
0x18: {  	[sflag:s23] =	ssyncadd.s32 s4;
	_ =	sdelay $0x1  }
0x19: {  	s24 =	simm.s32 $0x1B8B  }
0x1a: {  	_ =	swait.ge [sflag:s24], $0x1  }
0x1b: {  	[sflag:s24] =	ssyncset.done $0x0  }
0x1c: {  	s26 =	simm.s32 $0x1B8E;
	s25 =	sld [smem:$0x3FFE];
	[sflag:s24] =	ssyncadd.s32 $0xFFFFFFFF  }
0x1d: {  	s27 =	simm.s32 $execute0_lowered;
	[smem:$0x3FD2] =	sst s26  }
0x1e: {  	s5 =	sshll.u32 s27, $0x1;
	_ =	strace $0x8000004C;
	[dreg:$0x1] =	wrdreg $0xFFFFFFFF  }
0x1f: {  	s28 =	simm.s32 $_size_execute0_lowered;
	s3 =	sadd.s32 s3, s5;
	[dreg:$0x0] =	wrdreg $0x0  }
0x20: {  	s5 =	sshll.u32 s28, $0x1;
	[dreg:$0x2] =	wrdreg s3  }
0x21: {  	[dreg:$0x3] =	wrdreg s5  }
0x22: {  	[dreg:$0x4] =	wrdreg $0xC0  }
0x23: {  	_ =	task [dreg:s7], $0x5FFFF  }
0x24: {  	[dreg:$0x1] =	wrdreg $0xFFFFFFFF  }
0x25: {  	[dreg:$0x0] =	wrdreg $0x60  }
0x26: {  	[dreg:$0x2] =	wrdreg s25  }
0x27: {  	[dreg:$0x3] =	wrdreg s2  }
0x28: {  	[dreg:$0x4] =	wrdreg $0x9  }
0x29: {  	_ =	task.clear_ibuf [dreg:s7], $0x5FFFF;
	_ =	strace $0x9000004C  }
0x2a: {  	s29 =	simm.s32 $0x9;
	_ =	strace $0x8000004E  }
0x2b: {  	_ =	swait.ge [sflag:s29], $0x1  }
0x2c: {  	[sflag:s29] =	ssyncadd.s32 $0xFFFFFFFF  }
0x2d: {  	_ =	strace $0x9000004E  }
0x2e: {  	_ =	sfence  }
0x2f: {  	s30 =	sld [smem:$0x0];
	_ =	sdelay $0x2  }
0x30: {  	s31 =	sshll.u32 s1, $0xD;
	s1 =	sshrl.u32 s1, $0x2  }
0x31: {  	s3 =	sand.u32 $0x4000, s31;
	s1 =	sadd.s32 s1, s30  }
0x32: {  	s0 =	sor.u32 s3, s0;
	s1 =	sshll.u32 s1, $0x11  }
0x33: {  	s0 =	sor.u32 s1, s0  }
0x34: {  	s0 =	sadd.s32 $0x8F2B, s0  }
0x35: {  	[sflag:s0] =	ssyncadd.remote.s32 $0x1  }
0x36: {  	_ =	sfence.sel $0xFFFF  }
0x37: {  	[dreg:$0x0] =	wrdreg $0xFFFFFFFF;
	(pc) =	sbr.abs _section_cstart, $3  }
0x38: {  	[dreg:$0x1] =	wrdreg $0xFFFFFFFF  }
0x39: {  	_ =	task.clear_ibuf [dreg:s7], $0x2FFFF;
	_ =	strace $0x9FFFFFFF  }
0x3a: {  	(tm) =	ssettm $0x7FFFFFFF  }
0x3b: {  	_ =	shalt  }
tec
execute0_lowered:
.L_overlay_start_1:
0x0: {  	(tag) =	ssettag $0x1  }
0x1: {  	s0 =	srdreg.scid  }
0x2: {  	s1 =	sshll.u32 s0, $0x4  }
0x3: {  	s0 =	stileid.u32;
	s1 =	sand.u32 $0x10, s1  }
0x4: {  	s1 =	sor.u32 s0, s1  }
0x5: {  	s6 =	rddreg [dreg:$0x0];
	s4 =	simm.s32 $0x1;
	s2 =	sshll.u32 s1, $0x7  }
0x6: {  	s7 =	simm.s32 $0x2;
	s12 =	simm.s32 $0x0;
	s1 =	ssub.s32 $0x1000, s2  }
0x7: {  	s8 =	simm.s32 $0x8000;
	s13 =	simm.s32 $0x0;
	s3 =	sand.u32 $0xF80, s1  }
0x8: {  	s9 =	simm.s32 $0x0;
	s5 =	sshrl.u32 s1, $0xC;
	p0 =	sne.s32 s3, $0x0  }
.Ltmp0:
0x9: {  	s1 =	rddreg [dreg:$0x2];
	s4 =	simm.s32 @!p0 $0x0;
	(pc) =	sbr.rel .LBB1_1-.Ltmp0, $4  }
0xa: {  	s11 =	simm.s32 $0x0;
	s3 =	rddreg [dreg:$0x1];
	s5 =	sadd.s32 s4, s5  }
0xb: {  	_ =	strace $0x8000004D;
	s4 =	simm.s32 $0x1;
	s5 =	smul.u32 $0xC8, s5  }
0xc: {  	s6 =	sadd.s32 $0xE51000, s6;
	s10 =	smov.u32 s2;
	[sflag:s4] =	ssyncpa.u1 $0x0  }
0xd: {  	p0 =	por $0x0, $0x0;
	[sflag:s7] =	ssyncpa.u1 $0x0;
	s7 =	sor.u32 $0x1, s5  }
.LBB1_4:
0xe: {  	s16 =	sshll.u32 s13, $0x3;
	s17 =	sand.u32 $0x78, s13  }
0xf: {  	s30 =	sand.u32 $0x7E00, s13;
	s12 =	sshll.u32 s12, $0xF;
	s16 =	sand.u32 $0xC00, s16  }
0x10: {  	[tilespmem:s15+$0x810 ss:$0x81] =	vst.msk $0xffff, v2;
	s31 =	sand.u32 $0x7, s13;
	s16 =	sor.u32 s17, s16;
	s17 =	sadd.s32 s3, s30  }
0x11: {  	[tilespmem:s15+$0x1020 ss:$0x81] =	vst.msk $0xffff, v0;
	s13 =	sshll.u32 s31, $0x12;
	s12 =	sadd.s32 s12, s17;
	s16 =	sshrl.u32 s16, $0x3  }
0x12: {  	[tilespmem:s15+$0x0 ss:$0x81] =	vst.msk $0xffff, v1;
	s13 =	sor.u32 $0x400, s13;
	s12 =	sadd.s32 s16, s12  }
0x13: {  	[hbm4b:s12+s13] =	stream.strided.scatter [tilespmem:s14], [sflag:$0x2], $0x2000, s8, s13, $0x20;
	[tilespmem:$0x8080] =	vst v63  }
.LBB1_5:
0x14: {  	s14 =	sadd.s32 $0x1, s9  }
0x15: {  	s12 =	sadd.s32 $0x1000, s10;
	s16 =	smov.u32 s10;
	p2 =	sgt.s32 s14, $0xC7  }
0x16: {  	s16 =	smov.u32 @p2 s12  }
0x17: {  	s14 =	simm.s32 @p2 $0x0;
	p2 =	sgt.s32 s16, $0xFFF  }
0x18: {  	s16 =	smov.u32 @p2 s2;
	p2 =	sne.s32 s11, s7  }
.Ltmp1:
0x19: {  	p1 =	slt.u32 s11, $0x2;
	(pc) =	sbr.rel @!p2 .LBB1_6-.Ltmp1, $4  }
0x1a: {  	s15 =	simm.s32 @!p1 $0x2  }
0x1b: {  	s13 =	smov.u32 s10;
	p0 =	por !p0, !p0;
	_ =	swait.ge @!p1 [sflag:s15], $0x2000  }
0x1c: {  	s12 =	smov.u32 s9;
	[sflag:s15] =	ssyncset.done @!p1 $0x0;
	s9 =	smov.u32 s14  }
0x1d: {  	s11 =	sadd.s32 $0x1, s11;
	[sflag:s15] =	ssyncadd.s32 @!p1 $0xFFFFE000;
	s10 =	smov.u32 s16  }
.LBB1_1:
0x1e: {  	p1 =	sge.u32 s11, s5  }
0x1f: {  	s14 =	sand.u32 @!p1 $0x1FFFFFF, s9  }
0x20: {  	s15 =	smulhi.u32 @!p1 $0x147AE15, s14;
	_ =	sdelay $0x1  }
0x21: {  	s15 =	smul.u32 @!p1 $0xC8, s15  }
0x22: {  	s16 =	sxor.u32 @!p1 $0xFFFFFFFF, s11;
	s17 =	smul.u32 @!p1 $0xC80, s10  }
0x23: {  	s31 =	sadd.s32 $0xFFFFFFFF, s11;
	s16 =	sshll.u32 @!p1 s16, $0xD;
	s14 =	ssub.s32 @!p1 s14, s15  }
0x24: {  	s15 =	sand.u32 @!p1 $0x2000, s16;
	s16 =	sadd.s32 @!p1 s6, s17;
	s14 =	sshll.u32 @!p1 s14, $0x4  }
0x25: {  	s17 =	simm.s32 @!p1 $0x6400;
	s14 =	sadd.s32 @!p1 s14, s16;
	s16 =	simm.s32 @!p1 $0x40  }
0x26: {  	[tilespmem:s15], [sflag:$0x1] =	stream.strided.gather @!p1 [hbm4b:s14+s16], $0x2000, s17, s16, $0x38;
	[tilespmem:$0x8080] =	vst v63  }
0x27: {  	p1 =	sge.u32 s31, s5  }
.Ltmp2:
0x28: {  	_ = 	snop;
	(pc) =	sbr.rel @p1 .LBB1_5-.Ltmp2, $1  }
0x29: {  	_ =	sdelay $0x3  }
0x2a: {  	s14 =	simm.s32 $0x1  }
0x2b: {  	_ =	swait.ge [sflag:s4], $0x2000;
	s14 =	simm.s32 @!p0 $0x0  }
0x2c: {  	[sflag:s4] =	ssyncset.done $0x0;
	s15 =	sshll.u32 s14, $0xD  }
0x2d: {  	[sflag:s4] =	ssyncadd.s32 $0xFFFFE000;
	s18 =	sor.u32 $0x20, s15  }
0x2e: {  	s14 =	smul.u32 $0x8100, s14;
	v3 =	vld [tilespmem:s18+$0x10]  }
0x2f: {  	s30 =	sand.u32 $0x1, s11;
	v2 =	vld [tilespmem:s18+$0xFFFFFFF0]  }
0x30: {  	s15 =	smul.u32 $0x8100, s30;
	s14 =	sshrl.u32 s14, $0x2;
	v0 =	vld [tilespmem:s18+$0x0]  }
0x31: {  	v1 =	vld [tilespmem:s18+$0xFFFFFFE0];
	s16 =	sor.u32 $0x4000, s14  }
0x32: {  	s31 =	sshrl.u32 s15, $0x2;
	s15 =	sadd.s32 $0x0, s16  }
0x33: {  	s17 =	simm.s32 $0x4;
	s18 =	sadd.s32 $0x40, s18;
	s14 =	sor.u32 $0x4000, s31;
	[tilespmem:s15+$0x1830 ss:$0x81] =	vst.msk $0xffff, v3  }
.LBB1_3:
0x34: {  	v3 =	vld [tilespmem:s18+$0x10];
	p1 =	sne.s32 s17, $0x1FC;
	[tilespmem:s15+$0x810 ss:$0x81] =	vst.msk $0xffff, v2;
	s19 =	smov.u32 s17;
	s17 =	sadd.s32 $0x4, s17  }
.Ltmp3:
0x35: {  	v2 =	vld [tilespmem:s18+$0xFFFFFFF0];
	[tilespmem:s15+$0x1020 ss:$0x81] =	vst.msk $0xffff, v0;
	(pc) =	sbr.rel @p1 .LBB1_3-.Ltmp3, $4  }
0x36: {  	v0 =	vld [tilespmem:s18+$0x0];
	[tilespmem:s15+$0x0 ss:$0x81] =	vst.msk $0xffff, v1  }
0x37: {  	s15 =	sshra.s32 s19, $0x2;
	v1 =	vld [tilespmem:s18+$0xFFFFFFE0]  }
0x38: {  	s15 =	sadd.s32 s15, s16  }
0x39: {  	s18 =	sadd.s32 $0x40, s18;
	[tilespmem:s15+$0x1830 ss:$0x81] =	vst.msk $0xffff, v3  }
.Ltmp4:
0x3a: {  	_ = 	snop;
	(pc) =	sbr.rel .LBB1_4-.Ltmp4, $1  }
0x3b: {  	_ =	sdelay $0x3  }
.LBB1_6:
0x3c: {  	_ =	sfence.sel $0x180000  }
0x3d: {  	s2 =	simm.s32 $0x1;
	[bflag:$0x0] =	sbarrier.arrive $0xFFFF  }
0x3e: {  	s31 =	simm.s32 $0x2;
	[sflag:s2] =	ssyncpa.u1 $0x1  }
0x3f: {  	[sflag:s31] =	ssyncpa.u1 $0x1  }
0x40: {  	p0 =	sne.s32 s0, $0x0;
	_ =	strace $0x9000004D  }
0x41: {  	s0 =	sadd.s32 @!p0 $0x100000, s1;
	[bflag:$0x2] =	sbarrier.arrive $0xFFFF  }
0x42: {  	[sflag:s0] =	ssyncadd.tile.s32 @!p0 $0x1;
	_ =	shalt  }
.Lfunc_end1:
_tile_overlayer_lowered:
.L_overlay_start_2:
0x43: {  	(tag) =	ssettag $0x2  }
0x44: {  	s0 =	rddreg [dreg:$0x0];
	s2 =	stileid.u32  }
0x45: {  	s1 =	rddreg [dreg:$0x1];
	p0 =	sne.s32 s2, $0x0  }
0x46: {  	s3 =	rddreg [dreg:$0x2];
	[bflag:$0x3] =	sbarrier.arrive $0xFFFF;
	s2 =	simm.s32 @!p0 $0x1C01  }
0x47: {  	[timem:s3], [sflag:s2] =	dma.local @!p0 [hbm:s0], s1  }
0x48: {  	s0 =	simm.s32 @!p0 $0x1  }
0x49: {  	_ =	swait.ge @!p0 [sflag:s0], s1  }
0x4a: {  	s1 =	ssub.s32 @!p0 $0x0, s1;
	[sflag:s0] =	ssyncset.done @!p0 $0x0  }
0x4b: {  	[sflag:s0] =	ssyncadd.s32 @!p0 s1  }
0x4c: {  	[bflag:$0x3] =	sbarrier.arrive $0xFFFF  }
0x4d: {  	_ =	shalt  }

</sc_bundles>
